<compile_context>
chip_gen: v7x
topology: tpu7x:2x2x1
jax: 0.10.2.dev20260603
libtpu: 0.0.44.dev20260713+nightly
codegen_flags: <defaults>
</compile_context>

<pallas_src>
import functools

import jax
import jax.numpy as jnp
from jax import lax
from jax.experimental import pallas as pl
from jax.experimental.pallas import tpu as pltpu
from jax.experimental.pallas import tpu_sc as plsc

Q = 1024
D = 128
N_LBL = 100000
TOPK = 5
T = 2048
BIG_I = 2**30


def _inv_l2(ssum):
    x = jnp.maximum(ssum, 1e-37)
    y = lax.rsqrt(x)
    y = y * (1.5 - 0.5 * x * y * y)
    y = y * (1.5 - 0.5 * x * y * y)
    n = jnp.maximum(x * y, 1e-12)
    r = 1.0 / n
    r = r * (2.0 - n * r)
    r = r * (2.0 - n * r)
    return r


def _topk_tc_kernel(doc_ref, lbl_ref, scr_ref, idx_ref,
                    bs_ref, bi_ref, dn_ref, sw_ref, ts_ref, ti_ref):
    t = pl.program_id(0)
    nt = pl.num_programs(0)

    @pl.when(t == 0)
    def _init():
        bs_ref[...] = jnp.full((Q, TOPK), -jnp.inf, jnp.float32)
        bi_ref[...] = jnp.full((Q, TOPK), float(BIG_I), jnp.float32)
        doc = doc_ref[...]
        dn_ref[...] = doc * _inv_l2(jnp.sum(doc * doc, axis=1, keepdims=True))

    docn = dn_ref[...]

    lbl = lbl_ref[...]
    lbln = lbl * _inv_l2(jnp.sum(lbl * lbl, axis=1, keepdims=True))

    s = lax.dot_general(
        docn, lbln, (((1,), (1,)), ((), ())),
        preferred_element_type=jnp.float32,
    )

    lim = (N_LBL - t * T)
    ii = lax.broadcasted_iota(jnp.int32, (Q, T), 1)
    s = lax.cond(t == nt - 1,
                 lambda x: jnp.where(ii < lim, x, -jnp.inf),
                 lambda x: x, s)
    cols = ii.astype(jnp.float32)

    th = jnp.min(bs_ref[...], axis=1, keepdims=True)
    cnt = jnp.sum(jnp.where(s > th, 1.0, 0.0), axis=1, keepdims=True)
    npv = jnp.max(cnt)

    sw_ref[...] = s
    ts_ref[...] = jnp.full((Q, TOPK), -jnp.inf, jnp.float32)
    ti_ref[...] = jnp.full((Q, TOPK), float(BIG_I), jnp.float32)

    for j in range(TOPK):
        @pl.when(npv > j)
        def _pass(j=j):
            sv = sw_ref[...]
            m = jnp.max(sv, axis=1, keepdims=True)
            pick = jnp.min(jnp.where(sv == m, cols, jnp.inf), axis=1,
                           keepdims=True)
            sw_ref[...] = jnp.where(cols == pick, -jnp.inf, sv)
            ts_ref[:, j:j + 1] = m
            ti_ref[:, j:j + 1] = pick

    tile_s = ts_ref[...]
    tile_i = ti_ref[...] + (t * T).astype(jnp.float32)

    cs = jnp.concatenate([bs_ref[...], tile_s], axis=1)
    ci = jnp.concatenate([bi_ref[...], tile_i], axis=1)
    ns, ni = [], []
    for _ in range(TOPK):
        m = jnp.max(cs, axis=1, keepdims=True)
        is_m = cs == m
        pick = jnp.min(jnp.where(is_m, ci, jnp.inf), axis=1, keepdims=True)
        cs = jnp.where(is_m & (ci == pick), -jnp.inf, cs)
        ns.append(m)
        ni.append(pick)
    bs_ref[...] = jnp.concatenate(ns, axis=1)
    bi_ref[...] = jnp.concatenate(ni, axis=1)

    @pl.when(t == nt - 1)
    def _fin():
        scr_ref[...] = bs_ref[...]
        idx_ref[...] = bi_ref[...].astype(jnp.int32)


def _topk_tc(doc, lbl_emb):
    nt = pl.cdiv(N_LBL, T)
    return pl.pallas_call(
        _topk_tc_kernel,
        grid=(nt,),
        in_specs=[
            pl.BlockSpec((Q, D), lambda t: (0, 0)),
            pl.BlockSpec((T, D), lambda t: (t, 0)),
        ],
        out_specs=[
            pl.BlockSpec((Q, TOPK), lambda t: (0, 0)),
            pl.BlockSpec((Q, TOPK), lambda t: (0, 0)),
        ],
        out_shape=[
            jax.ShapeDtypeStruct((Q, TOPK), jnp.float32),
            jax.ShapeDtypeStruct((Q, TOPK), jnp.int32),
        ],
        scratch_shapes=[
            pltpu.VMEM((Q, TOPK), jnp.float32),
            pltpu.VMEM((Q, TOPK), jnp.float32),
            pltpu.VMEM((Q, D), jnp.float32),
            pltpu.VMEM((Q, T), jnp.float32),
            pltpu.VMEM((Q, TOPK), jnp.float32),
            pltpu.VMEM((Q, TOPK), jnp.float32),
        ],
    )(doc, lbl_emb)


_B = Q * TOPK
_NW = 32
_PER_W = _B // _NW
_CH = 80
_NCH = _PER_W // _CH


def _remap_sc(ind_flat, table):
    mesh = plsc.VectorSubcoreMesh(core_axis_name="c", subcore_axis_name="s")

    @functools.partial(
        pl.kernel,
        mesh=mesh,
        out_type=jax.ShapeDtypeStruct((_B,), jnp.int32),
        scratch_types=[
            pltpu.VMEM((_CH,), jnp.int32),
            pltpu.VMEM((_CH,), jnp.int32),
            pltpu.SemaphoreType.DMA,
        ],
    )
    def k(idx_hbm, table_hbm, out_hbm, idx_v, rows_v, sem):
        wid = lax.axis_index("s") * 2 + lax.axis_index("c")
        for c in range(_NCH):
            base = wid * _PER_W + c * _CH
            pltpu.sync_copy(idx_hbm.at[pl.ds(base, _CH)], idx_v)
            pltpu.async_copy(table_hbm.at[idx_v], rows_v, sem).wait()
            pltpu.sync_copy(rows_v, out_hbm.at[pl.ds(base, _CH)])

    return k(ind_flat, table)


def kernel(doc, lbl_emb, remapped, K=5):
    scr, raw_idx = _topk_tc(doc, lbl_emb)
    ind = _remap_sc(raw_idx.reshape(-1), remapped).reshape(Q, TOPK)
    return (scr, ind)

# --- scband reference (transcript-rebuilt; emitter-appended) ---
"""Pipeline reference for scband-ov-amodule-10101763080665 (READ-ONLY COPY).

The authoritative reference and input builder live on the scoring server;
editing this copy changes nothing except your own understanding.
"""

import jax, jax.numpy as jnp
import numpy as np


def _l2norm(x, axis=1):
    n = jnp.sqrt(jnp.sum(x * x, axis=axis, keepdims=True))
    return x / jnp.maximum(n, 1e-12)


def setup_inputs(seed: int = 0) -> dict:
    key = jax.random.key(seed)
    k1, k2, k3 = jax.random.split(key, 3)
    doc = jax.random.normal(k1, (1024, 128), dtype=jnp.float32)
    # learned (frozen) label embedding table, raw form before __init__ normalization
    lbl_emb = jax.random.normal(k2, (100000, 128), dtype=jnp.float32)
    # remap indices (e.g., cluster-local -> global label ids)
    remapped = jax.random.randint(k3, (100000,), 0, 100000, dtype=jnp.int32)
    return {"doc": doc, "lbl_emb": lbl_emb, "remapped": remapped, "K": 5}


def reference(doc, lbl_emb, remapped, K=5):
    # __init__: F.normalize(lbl_emb).T  (row-wise L2 normalize, then transpose)
    lblT = _l2norm(lbl_emb, axis=1).T  # [d, n_labels]
    # forward: normalize doc, dense scores, top-k, remap indices
    docn = _l2norm(doc, axis=1)
    scores = docn @ lblT  # [Q, n_labels]
    k = min(5, lblT.shape[1])
    scr, ind = jax.lax.top_k(scores, k)
    valid = jnp.arange(k) < K
    scr = jnp.where(valid[None, :], scr, scr)
    ind = remapped[ind]
    ind = jnp.where(valid[None, :], ind, ind)
    return (scr, ind)

if __name__ == "__main__":
    import jax
    _d = setup_inputs()
    print(jax.jit(kernel)(*tuple(_d.values())))

</pallas_src>

<mosaic_0001>
#map = affine_map<(d0, d1) -> (0)>
module attributes {stable_mosaic.version = 14 : i64} {
  func.func @k(%arg0: i32, %arg1: i32, %arg2: memref<5120xi32, #tpu.memory_space<hbm>>, %arg3: memref<100000xi32, #tpu.memory_space<hbm>>, %arg4: memref<5120xi32, #tpu.memory_space<hbm>>, %arg5: memref<80xi32, #tpu.memory_space<vmem>>, %arg6: memref<80xi32, #tpu.memory_space<vmem>>, %arg7: memref<!tpu.dma_semaphore, #tpu.memory_space<semaphore_mem>>) attributes {dimension_semantics = [#tpu.dimension_semantics<core_parallel>, #tpu.dimension_semantics<subcore_parallel>], iteration_bounds = array<i64: 2, 16>, scalar_prefetch = 0 : i64, scratch_operands = 3 : i64, tpu.core_type = #tpu.core_type<sc_vector_subcore>, window_params = [{transform_indices = #map}, {transform_indices = #map}, {transform_indices = #map}]} {
    %mul3A = arith.constant 2 : i32
    %mul3A_0 = arith.muli %arg1, %mul3A : i32
    %add3A = arith.addi %mul3A_0, %arg0 : i32
    %mul3A_1 = arith.constant 160 : i32
    %mul3A_2 = arith.muli %add3A, %mul3A_1 : i32
    %add3A_3 = arith.constant 0 : i32
    %add3A_4 = arith.addi %mul3A_2, %add3A_3 : i32
    "tpu.region"() ({
      %run_scoped3A = tpu.sem_alloc : memref<!tpu.dma_semaphore, #tpu.memory_space<semaphore_mem>>
      %dma_start3A_15 = tpu.memref_slice %arg2[%add3A_4] : memref<5120xi32, #tpu.memory_space<hbm>> -> memref<80xi32, #tpu.memory_space<hbm>>
      %dma_start3A_16 = tpu.memref_slice %arg2[%add3A_4] : memref<5120xi32, #tpu.memory_space<hbm>> -> memref<80xi32, #tpu.memory_space<hbm>>
      tpu.enqueue_dma source(%dma_start3A_16 : memref<80xi32, #tpu.memory_space<hbm>>) target(%arg5 : memref<80xi32, #tpu.memory_space<vmem>>) target_semaphore(%run_scoped3A : memref<!tpu.dma_semaphore, #tpu.memory_space<semaphore_mem>>)
      %dma_wait3A_17 = tpu.memref_slice %arg2[%add3A_4] : memref<5120xi32, #tpu.memory_space<hbm>> -> memref<80xi32, #tpu.memory_space<hbm>>
      %dma_wait3A_18 = tpu.memref_slice %arg2[%add3A_4] : memref<5120xi32, #tpu.memory_space<hbm>> -> memref<80xi32, #tpu.memory_space<hbm>>
      tpu.wait_dma2 semaphore(%run_scoped3A : memref<!tpu.dma_semaphore, #tpu.memory_space<semaphore_mem>>) src(%dma_wait3A_18 : memref<80xi32, #tpu.memory_space<hbm>>) dst(%arg5 : memref<80xi32, #tpu.memory_space<vmem>>)
      tpu.yield
    }) : () -> ()
    %dma_start3A = arith.constant 0 : i32
    %dma_start3A_5 = tpu.memref_slice %arg3[%dma_start3A] : memref<100000xi32, #tpu.memory_space<hbm>> -> memref<100000xi32, #tpu.memory_space<hbm>>
    tpu.enqueue_indirect_dma source(%dma_start3A_5 : memref<100000xi32, #tpu.memory_space<hbm>>) target(%arg6 : memref<80xi32, #tpu.memory_space<vmem>>) offsets(%arg5 : memref<80xi32, #tpu.memory_space<vmem>>) semaphore(%arg7 : memref<!tpu.dma_semaphore, #tpu.memory_space<semaphore_mem>>)
    %dma_wait3A = arith.constant 0 : i32
    %dma_wait3A_6 = tpu.memref_slice %arg3[%dma_wait3A] : memref<100000xi32, #tpu.memory_space<hbm>> -> memref<100000xi32, #tpu.memory_space<hbm>>
    tpu.wait_indirect_dma semaphore(%arg7 : memref<!tpu.dma_semaphore, #tpu.memory_space<semaphore_mem>>) src(%dma_wait3A_6 : memref<100000xi32, #tpu.memory_space<hbm>>) dst(%arg6 : memref<80xi32, #tpu.memory_space<vmem>>)
    "tpu.region"() ({
      %run_scoped3A = tpu.sem_alloc : memref<!tpu.dma_semaphore, #tpu.memory_space<semaphore_mem>>
      %dma_start3A_15 = tpu.memref_slice %arg4[%add3A_4] : memref<5120xi32, #tpu.memory_space<hbm>> -> memref<80xi32, #tpu.memory_space<hbm>>
      %dma_start3A_16 = tpu.memref_slice %arg4[%add3A_4] : memref<5120xi32, #tpu.memory_space<hbm>> -> memref<80xi32, #tpu.memory_space<hbm>>
      tpu.enqueue_dma source(%arg6 : memref<80xi32, #tpu.memory_space<vmem>>) target(%dma_start3A_16 : memref<80xi32, #tpu.memory_space<hbm>>) target_semaphore(%run_scoped3A : memref<!tpu.dma_semaphore, #tpu.memory_space<semaphore_mem>>)
      %dma_wait3A_17 = tpu.memref_slice %arg4[%add3A_4] : memref<5120xi32, #tpu.memory_space<hbm>> -> memref<80xi32, #tpu.memory_space<hbm>>
      %dma_wait3A_18 = tpu.memref_slice %arg4[%add3A_4] : memref<5120xi32, #tpu.memory_space<hbm>> -> memref<80xi32, #tpu.memory_space<hbm>>
      tpu.wait_dma2 semaphore(%run_scoped3A : memref<!tpu.dma_semaphore, #tpu.memory_space<semaphore_mem>>) src(%arg6 : memref<80xi32, #tpu.memory_space<vmem>>) dst(%dma_wait3A_18 : memref<80xi32, #tpu.memory_space<hbm>>)
      tpu.yield
    }) : () -> ()
    %mul3A_7 = arith.constant 160 : i32
    %mul3A_8 = arith.muli %add3A, %mul3A_7 : i32
    %add3A_9 = arith.constant 80 : i32
    %add3A_10 = arith.addi %mul3A_8, %add3A_9 : i32
    "tpu.region"() ({
      %run_scoped3A = tpu.sem_alloc : memref<!tpu.dma_semaphore, #tpu.memory_space<semaphore_mem>>
      %dma_start3A_15 = tpu.memref_slice %arg2[%add3A_10] : memref<5120xi32, #tpu.memory_space<hbm>> -> memref<80xi32, #tpu.memory_space<hbm>>
      %dma_start3A_16 = tpu.memref_slice %arg2[%add3A_10] : memref<5120xi32, #tpu.memory_space<hbm>> -> memref<80xi32, #tpu.memory_space<hbm>>
      tpu.enqueue_dma source(%dma_start3A_16 : memref<80xi32, #tpu.memory_space<hbm>>) target(%arg5 : memref<80xi32, #tpu.memory_space<vmem>>) target_semaphore(%run_scoped3A : memref<!tpu.dma_semaphore, #tpu.memory_space<semaphore_mem>>)
      %dma_wait3A_17 = tpu.memref_slice %arg2[%add3A_10] : memref<5120xi32, #tpu.memory_space<hbm>> -> memref<80xi32, #tpu.memory_space<hbm>>
      %dma_wait3A_18 = tpu.memref_slice %arg2[%add3A_10] : memref<5120xi32, #tpu.memory_space<hbm>> -> memref<80xi32, #tpu.memory_space<hbm>>
      tpu.wait_dma2 semaphore(%run_scoped3A : memref<!tpu.dma_semaphore, #tpu.memory_space<semaphore_mem>>) src(%dma_wait3A_18 : memref<80xi32, #tpu.memory_space<hbm>>) dst(%arg5 : memref<80xi32, #tpu.memory_space<vmem>>)
      tpu.yield
    }) : () -> ()
    %dma_start3A_11 = arith.constant 0 : i32
    %dma_start3A_12 = tpu.memref_slice %arg3[%dma_start3A_11] : memref<100000xi32, #tpu.memory_space<hbm>> -> memref<100000xi32, #tpu.memory_space<hbm>>
    tpu.enqueue_indirect_dma source(%dma_start3A_12 : memref<100000xi32, #tpu.memory_space<hbm>>) target(%arg6 : memref<80xi32, #tpu.memory_space<vmem>>) offsets(%arg5 : memref<80xi32, #tpu.memory_space<vmem>>) semaphore(%arg7 : memref<!tpu.dma_semaphore, #tpu.memory_space<semaphore_mem>>)
    %dma_wait3A_13 = arith.constant 0 : i32
    %dma_wait3A_14 = tpu.memref_slice %arg3[%dma_wait3A_13] : memref<100000xi32, #tpu.memory_space<hbm>> -> memref<100000xi32, #tpu.memory_space<hbm>>
    tpu.wait_indirect_dma semaphore(%arg7 : memref<!tpu.dma_semaphore, #tpu.memory_space<semaphore_mem>>) src(%dma_wait3A_14 : memref<100000xi32, #tpu.memory_space<hbm>>) dst(%arg6 : memref<80xi32, #tpu.memory_space<vmem>>)
    "tpu.region"() ({
      %run_scoped3A = tpu.sem_alloc : memref<!tpu.dma_semaphore, #tpu.memory_space<semaphore_mem>>
      %dma_start3A_15 = tpu.memref_slice %arg4[%add3A_10] : memref<5120xi32, #tpu.memory_space<hbm>> -> memref<80xi32, #tpu.memory_space<hbm>>
      %dma_start3A_16 = tpu.memref_slice %arg4[%add3A_10] : memref<5120xi32, #tpu.memory_space<hbm>> -> memref<80xi32, #tpu.memory_space<hbm>>
      tpu.enqueue_dma source(%arg6 : memref<80xi32, #tpu.memory_space<vmem>>) target(%dma_start3A_16 : memref<80xi32, #tpu.memory_space<hbm>>) target_semaphore(%run_scoped3A : memref<!tpu.dma_semaphore, #tpu.memory_space<semaphore_mem>>)
      %dma_wait3A_17 = tpu.memref_slice %arg4[%add3A_10] : memref<5120xi32, #tpu.memory_space<hbm>> -> memref<80xi32, #tpu.memory_space<hbm>>
      %dma_wait3A_18 = tpu.memref_slice %arg4[%add3A_10] : memref<5120xi32, #tpu.memory_space<hbm>> -> memref<80xi32, #tpu.memory_space<hbm>>
      tpu.wait_dma2 semaphore(%run_scoped3A : memref<!tpu.dma_semaphore, #tpu.memory_space<semaphore_mem>>) src(%arg6 : memref<80xi32, #tpu.memory_space<vmem>>) dst(%dma_wait3A_18 : memref<80xi32, #tpu.memory_space<hbm>>)
      tpu.yield
    }) : () -> ()
    return
  }
}

module attributes {stable_mosaic.version = 14 : i64} {
  func.func @_topk_tc_kernel(%arg0: i32, %arg1: memref<1024x128xf32, #tpu.memory_space<vmem>>, %arg2: memref<2048x128xf32, #tpu.memory_space<vmem>>, %arg3: memref<1024x5xf32, #tpu.memory_space<vmem>>, %arg4: memref<1024x5xi32, #tpu.memory_space<vmem>>, %arg5: memref<1024x5xf32, #tpu.memory_space<vmem>>, %arg6: memref<1024x5xf32, #tpu.memory_space<vmem>>, %arg7: memref<1024x128xf32, #tpu.memory_space<vmem>>, %arg8: memref<1024x2048xf32, #tpu.memory_space<vmem>>, %arg9: memref<1024x5xf32, #tpu.memory_space<vmem>>, %arg10: memref<1024x5xf32, #tpu.memory_space<vmem>>) attributes {dimension_semantics = [#tpu.dimension_semantics<arbitrary>], iteration_bounds = array<i64: 49>, scalar_prefetch = 0 : i64, scratch_operands = 6 : i64, tpu.core_type = #tpu.core_type<tc>, window_params = [{pipeline_mode = #tpu.pipeline_mode<synchronous>, transform_indices = @transform_0, window_bounds = array<i64: 1024, 128>}, {transform_indices = @transform_1, window_bounds = array<i64: 2048, 128>}, {pipeline_mode = #tpu.pipeline_mode<synchronous>, transform_indices = @transform_2, window_bounds = array<i64: 1024, 5>}, {pipeline_mode = #tpu.pipeline_mode<synchronous>, transform_indices = @transform_3, window_bounds = array<i64: 1024, 5>}]} {
    %eq3A = arith.constant 0 : i32
    %eq3A_0 = arith.cmpi eq, %arg0, %eq3A : i32
    %convert_element_type3A = arith.extui %eq3A_0 : i1 to i32
    %cond3A = arith.constant 0 : i32
    %cond3A_1 = arith.cmpi ne, %convert_element_type3A, %cond3A : i32
    scf.if %cond3A_1 {
      %broadcast_in_dim3A_218 = arith.constant 0xFF800000 : f32
      %broadcast_in_dim3A_219 = vector.broadcast %broadcast_in_dim3A_218 : f32 to vector<1024x5xf32>
      %swap3A_220 = arith.constant 0 : index
      %swap3A_221 = arith.constant 0 : index
      %swap3A_222 = vector.load %arg5[%swap3A_220, %swap3A_221] : memref<1024x5xf32, #tpu.memory_space<vmem>>, vector<1024x5xf32>
      tpu.vector_store %arg5[%swap3A_220, %swap3A_221], %broadcast_in_dim3A_219 {strides = array<i32>} : memref<1024x5xf32, #tpu.memory_space<vmem>>, vector<1024x5xf32>,
      %broadcast_in_dim3A_223 = arith.constant 1.07374182E+9 : f32
      %broadcast_in_dim3A_224 = vector.broadcast %broadcast_in_dim3A_223 : f32 to vector<1024x5xf32>
      %swap3A_225 = arith.constant 0 : index
      %swap3A_226 = arith.constant 0 : index
      %swap3A_227 = vector.load %arg6[%swap3A_225, %swap3A_226] : memref<1024x5xf32, #tpu.memory_space<vmem>>, vector<1024x5xf32>
      tpu.vector_store %arg6[%swap3A_225, %swap3A_226], %broadcast_in_dim3A_224 {strides = array<i32>} : memref<1024x5xf32, #tpu.memory_space<vmem>>, vector<1024x5xf32>,
      %get3A_228 = arith.constant 0 : index
      %get3A_229 = arith.constant 0 : index
      %get3A_230 = vector.load %arg1[%get3A_228, %get3A_229] : memref<1024x128xf32, #tpu.memory_space<vmem>>, vector<1024x128xf32>
      %mul3A_231 = arith.mulf %get3A_230, %get3A_230 : vector<1024x128xf32>
      %reduce_sum3A_232 = arith.constant dense<0.000000e+00> : vector<1024xf32>
      %reduce_sum3A_233 = vector.multi_reduction <add>, %mul3A_231, %reduce_sum3A_232 [1] : vector<1024x128xf32> to vector<1024xf32>
      %broadcast_in_dim3A_234 = vector.shape_cast %reduce_sum3A_233 : vector<1024xf32> to vector<1024x1xf32>
      %max3A_235 = arith.constant 9.99999991E-38 : f32
      %max3A_236 = vector.broadcast %max3A_235 : f32 to vector<1024x1xf32>
      %max3A_237 = arith.maximumf %broadcast_in_dim3A_234, %max3A_236 : vector<1024x1xf32>
      %rsqrt3A_238 = math.rsqrt %max3A_237 : vector<1024x1xf32>
      %mul3A_239 = arith.constant 5.000000e-01 : f32
      %mul3A_240 = vector.broadcast %mul3A_239 : f32 to vector<1024x1xf32>
      %mul3A_241 = arith.mulf %mul3A_240, %max3A_237 : vector<1024x1xf32>
      %mul3A_242 = arith.mulf %mul3A_241, %rsqrt3A_238 : vector<1024x1xf32>
      %mul3A_243 = arith.mulf %mul3A_242, %rsqrt3A_238 : vector<1024x1xf32>
      %sub3A_244 = arith.constant 1.500000e+00 : f32
      %sub3A_245 = vector.broadcast %sub3A_244 : f32 to vector<1024x1xf32>
      %sub3A_246 = arith.subf %sub3A_245, %mul3A_243 : vector<1024x1xf32>
      %mul3A_247 = arith.mulf %rsqrt3A_238, %sub3A_246 : vector<1024x1xf32>
      %mul3A_248 = arith.constant 5.000000e-01 : f32
      %mul3A_249 = vector.broadcast %mul3A_248 : f32 to vector<1024x1xf32>
      %mul3A_250 = arith.mulf %mul3A_249, %max3A_237 : vector<1024x1xf32>
      %mul3A_251 = arith.mulf %mul3A_250, %mul3A_247 : vector<1024x1xf32>
      %mul3A_252 = arith.mulf %mul3A_251, %mul3A_247 : vector<1024x1xf32>
      %sub3A_253 = arith.constant 1.500000e+00 : f32
      %sub3A_254 = vector.broadcast %sub3A_253 : f32 to vector<1024x1xf32>
      %sub3A_255 = arith.subf %sub3A_254, %mul3A_252 : vector<1024x1xf32>
      %mul3A_256 = arith.mulf %mul3A_247, %sub3A_255 : vector<1024x1xf32>
      %mul3A_257 = arith.mulf %max3A_237, %mul3A_256 : vector<1024x1xf32>
      %max3A_258 = arith.constant 9.99999996E-13 : f32
      %max3A_259 = vector.broadcast %max3A_258 : f32 to vector<1024x1xf32>
      %max3A_260 = arith.maximumf %mul3A_257, %max3A_259 : vector<1024x1xf32>
      %div3A_261 = arith.constant 1.000000e+00 : f32
      %div3A_262 = vector.broadcast %div3A_261 : f32 to vector<1024x1xf32>
      %div3A_263 = arith.divf %div3A_262, %max3A_260 : vector<1024x1xf32>
      %mul3A_264 = arith.mulf %max3A_260, %div3A_263 : vector<1024x1xf32>
      %sub3A_265 = arith.constant 2.000000e+00 : f32
      %sub3A_266 = vector.broadcast %sub3A_265 : f32 to vector<1024x1xf32>
      %sub3A_267 = arith.subf %sub3A_266, %mul3A_264 : vector<1024x1xf32>
      %mul3A_268 = arith.mulf %div3A_263, %sub3A_267 : vector<1024x1xf32>
      %mul3A_269 = arith.mulf %max3A_260, %mul3A_268 : vector<1024x1xf32>
      %sub3A_270 = arith.constant 2.000000e+00 : f32
      %sub3A_271 = vector.broadcast %sub3A_270 : f32 to vector<1024x1xf32>
      %sub3A_272 = arith.subf %sub3A_271, %mul3A_269 : vector<1024x1xf32>
      %mul3A_273 = arith.mulf %mul3A_268, %sub3A_272 : vector<1024x1xf32>
      %mul3A_274 = vector.broadcast %mul3A_273 : vector<1024x1xf32> to vector<1024x128xf32>
      %mul3A_275 = arith.mulf %get3A_230, %mul3A_274 : vector<1024x128xf32>
      %swap3A_276 = arith.constant 0 : index
      %swap3A_277 = arith.constant 0 : index
      %swap3A_278 = vector.load %arg7[%swap3A_276, %swap3A_277] : memref<1024x128xf32, #tpu.memory_space<vmem>>, vector<1024x128xf32>
      tpu.vector_store %arg7[%swap3A_276, %swap3A_277], %mul3A_275 {strides = array<i32>} : memref<1024x128xf32, #tpu.memory_space<vmem>>, vector<1024x128xf32>,
    } else {
    }
    %get3A = arith.constant 0 : index
    %get3A_2 = arith.constant 0 : index
    %get3A_3 = vector.load %arg7[%get3A, %get3A_2] : memref<1024x128xf32, #tpu.memory_space<vmem>>, vector<1024x128xf32>
    %get3A_4 = arith.constant 0 : index
    %get3A_5 = arith.constant 0 : index
    %get3A_6 = vector.load %arg2[%get3A_4, %get3A_5] : memref<2048x128xf32, #tpu.memory_space<vmem>>, vector<2048x128xf32>
    %mul3A = arith.mulf %get3A_6, %get3A_6 : vector<2048x128xf32>
    %reduce_sum3A = arith.constant dense<0.000000e+00> : vector<2048xf32>
    %reduce_sum3A_7 = vector.multi_reduction <add>, %mul3A, %reduce_sum3A [1] : vector<2048x128xf32> to vector<2048xf32>
    %broadcast_in_dim3A = vector.shape_cast %reduce_sum3A_7 : vector<2048xf32> to vector<2048x1xf32>
    %max3A = arith.constant 9.99999991E-38 : f32
    %max3A_8 = vector.broadcast %max3A : f32 to vector<2048x1xf32>
    %max3A_9 = arith.maximumf %broadcast_in_dim3A, %max3A_8 : vector<2048x1xf32>
    %rsqrt3A = math.rsqrt %max3A_9 : vector<2048x1xf32>
    %mul3A_10 = arith.constant 5.000000e-01 : f32
    %mul3A_11 = vector.broadcast %mul3A_10 : f32 to vector<2048x1xf32>
    %mul3A_12 = arith.mulf %mul3A_11, %max3A_9 : vector<2048x1xf32>
    %mul3A_13 = arith.mulf %mul3A_12, %rsqrt3A : vector<2048x1xf32>
    %mul3A_14 = arith.mulf %mul3A_13, %rsqrt3A : vector<2048x1xf32>
    %sub3A = arith.constant 1.500000e+00 : f32
    %sub3A_15 = vector.broadcast %sub3A : f32 to vector<2048x1xf32>
    %sub3A_16 = arith.subf %sub3A_15, %mul3A_14 : vector<2048x1xf32>
    %mul3A_17 = arith.mulf %rsqrt3A, %sub3A_16 : vector<2048x1xf32>
    %mul3A_18 = arith.constant 5.000000e-01 : f32
    %mul3A_19 = vector.broadcast %mul3A_18 : f32 to vector<2048x1xf32>
    %mul3A_20 = arith.mulf %mul3A_19, %max3A_9 : vector<2048x1xf32>
    %mul3A_21 = arith.mulf %mul3A_20, %mul3A_17 : vector<2048x1xf32>
    %mul3A_22 = arith.mulf %mul3A_21, %mul3A_17 : vector<2048x1xf32>
    %sub3A_23 = arith.constant 1.500000e+00 : f32
    %sub3A_24 = vector.broadcast %sub3A_23 : f32 to vector<2048x1xf32>
    %sub3A_25 = arith.subf %sub3A_24, %mul3A_22 : vector<2048x1xf32>
    %mul3A_26 = arith.mulf %mul3A_17, %sub3A_25 : vector<2048x1xf32>
    %mul3A_27 = arith.mulf %max3A_9, %mul3A_26 : vector<2048x1xf32>
    %max3A_28 = arith.constant 9.99999996E-13 : f32
    %max3A_29 = vector.broadcast %max3A_28 : f32 to vector<2048x1xf32>
    %max3A_30 = arith.maximumf %mul3A_27, %max3A_29 : vector<2048x1xf32>
    %div3A = arith.constant 1.000000e+00 : f32
    %div3A_31 = vector.broadcast %div3A : f32 to vector<2048x1xf32>
    %div3A_32 = arith.divf %div3A_31, %max3A_30 : vector<2048x1xf32>
    %mul3A_33 = arith.mulf %max3A_30, %div3A_32 : vector<2048x1xf32>
    %sub3A_34 = arith.constant 2.000000e+00 : f32
    %sub3A_35 = vector.broadcast %sub3A_34 : f32 to vector<2048x1xf32>
    %sub3A_36 = arith.subf %sub3A_35, %mul3A_33 : vector<2048x1xf32>
    %mul3A_37 = arith.mulf %div3A_32, %sub3A_36 : vector<2048x1xf32>
    %mul3A_38 = arith.mulf %max3A_30, %mul3A_37 : vector<2048x1xf32>
    %sub3A_39 = arith.constant 2.000000e+00 : f32
    %sub3A_40 = vector.broadcast %sub3A_39 : f32 to vector<2048x1xf32>
    %sub3A_41 = arith.subf %sub3A_40, %mul3A_38 : vector<2048x1xf32>
    %mul3A_42 = arith.mulf %mul3A_37, %sub3A_41 : vector<2048x1xf32>
    %mul3A_43 = vector.broadcast %mul3A_42 : vector<2048x1xf32> to vector<2048x128xf32>
    %mul3A_44 = arith.mulf %get3A_6, %mul3A_43 : vector<2048x128xf32>
    %dot_general3A = arith.constant dense<0.000000e+00> : vector<1024x2048xf32>
    %dot_general3A_45 = tpu.matmul %get3A_3, %mul3A_44, %dot_general3A {dimension_numbers = #tpu.dot_dimension_numbers<[1], [1], [0], [0], [0, 0, 1, 0], [], []>, transpose_lhs_hint = false} : vector<1024x128xf32>, vector<2048x128xf32>, vector<1024x2048xf32> -> vector<1024x2048xf32>
    %mul3A_46 = arith.constant 2048 : i32
    %mul3A_47 = arith.muli %arg0, %mul3A_46 : i32
    %sub3A_48 = arith.constant 100000 : i32
    %sub3A_49 = arith.subi %sub3A_48, %mul3A_47 : i32
    %iota3A = tpu.iota {dimensions = array<i32: 1>} : vector<1024x2048xi32>
    %eq3A_50 = arith.constant 48 : i32
    %eq3A_51 = arith.cmpi eq, %arg0, %eq3A_50 : i32
    %convert_element_type3A_52 = arith.extui %eq3A_51 : i1 to i32
    %cond3A_53 = arith.constant 0 : i32
    %cond3A_54 = arith.cmpi ne, %convert_element_type3A_52, %cond3A_53 : i32
    %cond3A_55 = scf.if %cond3A_54 -> (vector<1024x2048xf32>) {
      %lt3A = vector.broadcast %sub3A_49 : i32 to vector<1024x2048xi32>
      %lt3A_218 = arith.cmpi slt, %iota3A, %lt3A : vector<1024x2048xi32>
      %jit3A_219 = arith.constant 0xFF800000 : f32
      %broadcast_in_dim3A_220 = vector.broadcast %jit3A_219 : f32 to vector<1024x2048xf32>
      %select_n3A_221 = arith.select %lt3A_218, %dot_general3A_45, %broadcast_in_dim3A_220 : vector<1024x2048xi1>, vector<1024x2048xf32>
      scf.yield %select_n3A_221 : vector<1024x2048xf32>
    } else {
      scf.yield %dot_general3A_45 : vector<1024x2048xf32>
    }
    %convert_element_type3A_56 = arith.sitofp %iota3A : vector<1024x2048xi32> to vector<1024x2048xf32>
    %get3A_57 = arith.constant 0 : index
    %get3A_58 = arith.constant 0 : index
    %get3A_59 = vector.load %arg5[%get3A_57, %get3A_58] : memref<1024x5xf32, #tpu.memory_space<vmem>>, vector<1024x5xf32>
    %reduce_min3A = arith.constant dense<0x7F800000> : vector<1024xf32>
    %reduce_min3A_60 = vector.multi_reduction <minimumf>, %get3A_59, %reduce_min3A [1] : vector<1024x5xf32> to vector<1024xf32>
    %broadcast_in_dim3A_61 = vector.shape_cast %reduce_min3A_60 : vector<1024xf32> to vector<1024x1xf32>
    %gt3A = vector.broadcast %broadcast_in_dim3A_61 : vector<1024x1xf32> to vector<1024x2048xf32>
    %gt3A_62 = arith.cmpf ogt, %cond3A_55, %gt3A : vector<1024x2048xf32>
    %jit3A = arith.constant 1.000000e+00 : f32
    %jit3A_63 = arith.constant 0.000000e+00 : f32
    %broadcast_in_dim3A_64 = vector.broadcast %jit3A : f32 to vector<1024x2048xf32>
    %broadcast_in_dim3A_65 = vector.broadcast %jit3A_63 : f32 to vector<1024x2048xf32>
    %select_n3A = arith.select %gt3A_62, %broadcast_in_dim3A_64, %broadcast_in_dim3A_65 : vector<1024x2048xi1>, vector<1024x2048xf32>
    %reduce_sum3A_66 = arith.constant dense<0.000000e+00> : vector<1024xf32>
    %reduce_sum3A_67 = vector.multi_reduction <add>, %select_n3A, %reduce_sum3A_66 [1] : vector<1024x2048xf32> to vector<1024xf32>
    %broadcast_in_dim3A_68 = vector.shape_cast %reduce_sum3A_67 : vector<1024xf32> to vector<1024x1xf32>
    %reduce_max3A = vector.shape_cast %broadcast_in_dim3A_68 : vector<1024x1xf32> to vector<1x1024x1xf32>
    %reduce_max3A_69 = arith.constant dense<0xFF800000> : vector<1xf32>
    %reduce_max3A_70 = vector.multi_reduction <maximumf>, %reduce_max3A, %reduce_max3A_69 [1, 2] : vector<1x1024x1xf32> to vector<1xf32>
    %reduce_max3A_71 = vector.shape_cast %reduce_max3A_70 : vector<1xf32> to vector<1x1x1xf32>
    %reduce_max3A_72 = vector.extract %reduce_max3A_71[0, 0, 0] : f32 from vector<1x1x1xf32>
    %swap3A = arith.constant 0 : index
    %swap3A_73 = arith.constant 0 : index
    %swap3A_74 = vector.load %arg8[%swap3A, %swap3A_73] : memref<1024x2048xf32, #tpu.memory_space<vmem>>, vector<1024x2048xf32>
    tpu.vector_store %arg8[%swap3A, %swap3A_73], %cond3A_55 {strides = array<i32>} : memref<1024x2048xf32, #tpu.memory_space<vmem>>, vector<1024x2048xf32>,
    %broadcast_in_dim3A_75 = arith.constant 0xFF800000 : f32
    %broadcast_in_dim3A_76 = vector.broadcast %broadcast_in_dim3A_75 : f32 to vector<1024x5xf32>
    %swap3A_77 = arith.constant 0 : index
    %swap3A_78 = arith.constant 0 : index
    %swap3A_79 = vector.load %arg9[%swap3A_77, %swap3A_78] : memref<1024x5xf32, #tpu.memory_space<vmem>>, vector<1024x5xf32>
    tpu.vector_store %arg9[%swap3A_77, %swap3A_78], %broadcast_in_dim3A_76 {strides = array<i32>} : memref<1024x5xf32, #tpu.memory_space<vmem>>, vector<1024x5xf32>,
    %broadcast_in_dim3A_80 = arith.constant 1.07374182E+9 : f32
    %broadcast_in_dim3A_81 = vector.broadcast %broadcast_in_dim3A_80 : f32 to vector<1024x5xf32>
    %swap3A_82 = arith.constant 0 : index
    %swap3A_83 = arith.constant 0 : index
    %swap3A_84 = vector.load %arg10[%swap3A_82, %swap3A_83] : memref<1024x5xf32, #tpu.memory_space<vmem>>, vector<1024x5xf32>
    tpu.vector_store %arg10[%swap3A_82, %swap3A_83], %broadcast_in_dim3A_81 {strides = array<i32>} : memref<1024x5xf32, #tpu.memory_space<vmem>>, vector<1024x5xf32>,
    %gt3A_85 = arith.constant 0.000000e+00 : f32
    %gt3A_86 = arith.cmpf ogt, %reduce_max3A_72, %gt3A_85 : f32
    %convert_element_type3A_87 = arith.extui %gt3A_86 : i1 to i32
    %cond3A_88 = arith.constant 0 : i32
    %cond3A_89 = arith.cmpi ne, %convert_element_type3A_87, %cond3A_88 : i32
    scf.if %cond3A_89 {
      %get3A_218 = arith.constant 0 : index
      %get3A_219 = arith.constant 0 : index
      %get3A_220 = vector.load %arg8[%get3A_218, %get3A_219] : memref<1024x2048xf32, #tpu.memory_space<vmem>>, vector<1024x2048xf32>
      %reduce_max3A_221 = arith.constant dense<0xFF800000> : vector<1024xf32>
      %reduce_max3A_222 = vector.multi_reduction <maximumf>, %get3A_220, %reduce_max3A_221 [1] : vector<1024x2048xf32> to vector<1024xf32>
      %broadcast_in_dim3A_223 = vector.shape_cast %reduce_max3A_222 : vector<1024xf32> to vector<1024x1xf32>
      %eq3A_224 = vector.broadcast %broadcast_in_dim3A_223 : vector<1024x1xf32> to vector<1024x2048xf32>
      %eq3A_225 = arith.cmpf oeq, %get3A_220, %eq3A_224 : vector<1024x2048xf32>
      %jit3A_226 = arith.constant 0x7F800000 : f32
      %broadcast_in_dim3A_227 = vector.broadcast %jit3A_226 : f32 to vector<1024x2048xf32>
      %select_n3A_228 = arith.select %eq3A_225, %convert_element_type3A_56, %broadcast_in_dim3A_227 : vector<1024x2048xi1>, vector<1024x2048xf32>
      %reduce_min3A_229 = arith.constant dense<0x7F800000> : vector<1024xf32>
      %reduce_min3A_230 = vector.multi_reduction <minimumf>, %select_n3A_228, %reduce_min3A_229 [1] : vector<1024x2048xf32> to vector<1024xf32>
      %broadcast_in_dim3A_231 = vector.shape_cast %reduce_min3A_230 : vector<1024xf32> to vector<1024x1xf32>
      %eq3A_232 = vector.broadcast %broadcast_in_dim3A_231 : vector<1024x1xf32> to vector<1024x2048xf32>
      %eq3A_233 = arith.cmpf oeq, %convert_element_type3A_56, %eq3A_232 : vector<1024x2048xf32>
      %jit3A_234 = arith.constant 0xFF800000 : f32
      %broadcast_in_dim3A_235 = vector.broadcast %jit3A_234 : f32 to vector<1024x2048xf32>
      %select_n3A_236 = arith.select %eq3A_233, %broadcast_in_dim3A_235, %get3A_220 : vector<1024x2048xi1>, vector<1024x2048xf32>
      %swap3A_237 = arith.constant 0 : index
      %swap3A_238 = arith.constant 0 : index
      %swap3A_239 = vector.load %arg8[%swap3A_237, %swap3A_238] : memref<1024x2048xf32, #tpu.memory_space<vmem>>, vector<1024x2048xf32>
      tpu.vector_store %arg8[%swap3A_237, %swap3A_238], %select_n3A_236 {strides = array<i32>} : memref<1024x2048xf32, #tpu.memory_space<vmem>>, vector<1024x2048xf32>,
      %swap3A_240 = arith.constant 0 : index
      %swap3A_241 = arith.constant 0 : index
      %swap3A_242 = vector.load %arg9[%swap3A_240, %swap3A_241] : memref<1024x5xf32, #tpu.memory_space<vmem>>, vector<1024x1xf32>
      tpu.vector_store %arg9[%swap3A_240, %swap3A_241], %broadcast_in_dim3A_223 {strides = array<i32>} : memref<1024x5xf32, #tpu.memory_space<vmem>>, vector<1024x1xf32>,
      %swap3A_243 = arith.constant 0 : index
      %swap3A_244 = arith.constant 0 : index
      %swap3A_245 = vector.load %arg10[%swap3A_243, %swap3A_244] : memref<1024x5xf32, #tpu.memory_space<vmem>>, vector<1024x1xf32>
      tpu.vector_store %arg10[%swap3A_243, %swap3A_244], %broadcast_in_dim3A_231 {strides = array<i32>} : memref<1024x5xf32, #tpu.memory_space<vmem>>, vector<1024x1xf32>,
    } else {
    }
    %gt3A_90 = arith.constant 1.000000e+00 : f32
    %gt3A_91 = arith.cmpf ogt, %reduce_max3A_72, %gt3A_90 : f32
    %convert_element_type3A_92 = arith.extui %gt3A_91 : i1 to i32
    %cond3A_93 = arith.constant 0 : i32
    %cond3A_94 = arith.cmpi ne, %convert_element_type3A_92, %cond3A_93 : i32
    scf.if %cond3A_94 {
      %get3A_218 = arith.constant 0 : index
      %get3A_219 = arith.constant 0 : index
      %get3A_220 = vector.load %arg8[%get3A_218, %get3A_219] : memref<1024x2048xf32, #tpu.memory_space<vmem>>, vector<1024x2048xf32>
      %reduce_max3A_221 = arith.constant dense<0xFF800000> : vector<1024xf32>
      %reduce_max3A_222 = vector.multi_reduction <maximumf>, %get3A_220, %reduce_max3A_221 [1] : vector<1024x2048xf32> to vector<1024xf32>
      %broadcast_in_dim3A_223 = vector.shape_cast %reduce_max3A_222 : vector<1024xf32> to vector<1024x1xf32>
      %eq3A_224 = vector.broadcast %broadcast_in_dim3A_223 : vector<1024x1xf32> to vector<1024x2048xf32>
      %eq3A_225 = arith.cmpf oeq, %get3A_220, %eq3A_224 : vector<1024x2048xf32>
      %jit3A_226 = arith.constant 0x7F800000 : f32
      %broadcast_in_dim3A_227 = vector.broadcast %jit3A_226 : f32 to vector<1024x2048xf32>
      %select_n3A_228 = arith.select %eq3A_225, %convert_element_type3A_56, %broadcast_in_dim3A_227 : vector<1024x2048xi1>, vector<1024x2048xf32>
      %reduce_min3A_229 = arith.constant dense<0x7F800000> : vector<1024xf32>
      %reduce_min3A_230 = vector.multi_reduction <minimumf>, %select_n3A_228, %reduce_min3A_229 [1] : vector<1024x2048xf32> to vector<1024xf32>
      %broadcast_in_dim3A_231 = vector.shape_cast %reduce_min3A_230 : vector<1024xf32> to vector<1024x1xf32>
      %eq3A_232 = vector.broadcast %broadcast_in_dim3A_231 : vector<1024x1xf32> to vector<1024x2048xf32>
      %eq3A_233 = arith.cmpf oeq, %convert_element_type3A_56, %eq3A_232 : vector<1024x2048xf32>
      %jit3A_234 = arith.constant 0xFF800000 : f32
      %broadcast_in_dim3A_235 = vector.broadcast %jit3A_234 : f32 to vector<1024x2048xf32>
      %select_n3A_236 = arith.select %eq3A_233, %broadcast_in_dim3A_235, %get3A_220 : vector<1024x2048xi1>, vector<1024x2048xf32>
      %swap3A_237 = arith.constant 0 : index
      %swap3A_238 = arith.constant 0 : index
      %swap3A_239 = vector.load %arg8[%swap3A_237, %swap3A_238] : memref<1024x2048xf32, #tpu.memory_space<vmem>>, vector<1024x2048xf32>
      tpu.vector_store %arg8[%swap3A_237, %swap3A_238], %select_n3A_236 {strides = array<i32>} : memref<1024x2048xf32, #tpu.memory_space<vmem>>, vector<1024x2048xf32>,
      %swap3A_240 = arith.constant 0 : index
      %swap3A_241 = arith.constant 1 : index
      %swap3A_242 = vector.load %arg9[%swap3A_240, %swap3A_241] : memref<1024x5xf32, #tpu.memory_space<vmem>>, vector<1024x1xf32>
      tpu.vector_store %arg9[%swap3A_240, %swap3A_241], %broadcast_in_dim3A_223 {strides = array<i32>} : memref<1024x5xf32, #tpu.memory_space<vmem>>, vector<1024x1xf32>,
      %swap3A_243 = arith.constant 0 : index
      %swap3A_244 = arith.constant 1 : index
      %swap3A_245 = vector.load %arg10[%swap3A_243, %swap3A_244] : memref<1024x5xf32, #tpu.memory_space<vmem>>, vector<1024x1xf32>
      tpu.vector_store %arg10[%swap3A_243, %swap3A_244], %broadcast_in_dim3A_231 {strides = array<i32>} : memref<1024x5xf32, #tpu.memory_space<vmem>>, vector<1024x1xf32>,
    } else {
    }
    %gt3A_95 = arith.constant 2.000000e+00 : f32
    %gt3A_96 = arith.cmpf ogt, %reduce_max3A_72, %gt3A_95 : f32
    %convert_element_type3A_97 = arith.extui %gt3A_96 : i1 to i32
    %cond3A_98 = arith.constant 0 : i32
    %cond3A_99 = arith.cmpi ne, %convert_element_type3A_97, %cond3A_98 : i32
    scf.if %cond3A_99 {
      %get3A_218 = arith.constant 0 : index
      %get3A_219 = arith.constant 0 : index
      %get3A_220 = vector.load %arg8[%get3A_218, %get3A_219] : memref<1024x2048xf32, #tpu.memory_space<vmem>>, vector<1024x2048xf32>
      %reduce_max3A_221 = arith.constant dense<0xFF800000> : vector<1024xf32>
      %reduce_max3A_222 = vector.multi_reduction <maximumf>, %get3A_220, %reduce_max3A_221 [1] : vector<1024x2048xf32> to vector<1024xf32>
      %broadcast_in_dim3A_223 = vector.shape_cast %reduce_max3A_222 : vector<1024xf32> to vector<1024x1xf32>
      %eq3A_224 = vector.broadcast %broadcast_in_dim3A_223 : vector<1024x1xf32> to vector<1024x2048xf32>
      %eq3A_225 = arith.cmpf oeq, %get3A_220, %eq3A_224 : vector<1024x2048xf32>
      %jit3A_226 = arith.constant 0x7F800000 : f32
      %broadcast_in_dim3A_227 = vector.broadcast %jit3A_226 : f32 to vector<1024x2048xf32>
      %select_n3A_228 = arith.select %eq3A_225, %convert_element_type3A_56, %broadcast_in_dim3A_227 : vector<1024x2048xi1>, vector<1024x2048xf32>
      %reduce_min3A_229 = arith.constant dense<0x7F800000> : vector<1024xf32>
      %reduce_min3A_230 = vector.multi_reduction <minimumf>, %select_n3A_228, %reduce_min3A_229 [1] : vector<1024x2048xf32> to vector<1024xf32>
      %broadcast_in_dim3A_231 = vector.shape_cast %reduce_min3A_230 : vector<1024xf32> to vector<1024x1xf32>
      %eq3A_232 = vector.broadcast %broadcast_in_dim3A_231 : vector<1024x1xf32> to vector<1024x2048xf32>
      %eq3A_233 = arith.cmpf oeq, %convert_element_type3A_56, %eq3A_232 : vector<1024x2048xf32>
      %jit3A_234 = arith.constant 0xFF800000 : f32
      %broadcast_in_dim3A_235 = vector.broadcast %jit3A_234 : f32 to vector<1024x2048xf32>
      %select_n3A_236 = arith.select %eq3A_233, %broadcast_in_dim3A_235, %get3A_220 : vector<1024x2048xi1>, vector<1024x2048xf32>
      %swap3A_237 = arith.constant 0 : index
      %swap3A_238 = arith.constant 0 : index
      %swap3A_239 = vector.load %arg8[%swap3A_237, %swap3A_238] : memref<1024x2048xf32, #tpu.memory_space<vmem>>, vector<1024x2048xf32>
      tpu.vector_store %arg8[%swap3A_237, %swap3A_238], %select_n3A_236 {strides = array<i32>} : memref<1024x2048xf32, #tpu.memory_space<vmem>>, vector<1024x2048xf32>,
      %swap3A_240 = arith.constant 0 : index
      %swap3A_241 = arith.constant 2 : index
      %swap3A_242 = vector.load %arg9[%swap3A_240, %swap3A_241] : memref<1024x5xf32, #tpu.memory_space<vmem>>, vector<1024x1xf32>
      tpu.vector_store %arg9[%swap3A_240, %swap3A_241], %broadcast_in_dim3A_223 {strides = array<i32>} : memref<1024x5xf32, #tpu.memory_space<vmem>>, vector<1024x1xf32>,
      %swap3A_243 = arith.constant 0 : index
      %swap3A_244 = arith.constant 2 : index
      %swap3A_245 = vector.load %arg10[%swap3A_243, %swap3A_244] : memref<1024x5xf32, #tpu.memory_space<vmem>>, vector<1024x1xf32>
      tpu.vector_store %arg10[%swap3A_243, %swap3A_244], %broadcast_in_dim3A_231 {strides = array<i32>} : memref<1024x5xf32, #tpu.memory_space<vmem>>, vector<1024x1xf32>,
    } else {
    }
    %gt3A_100 = arith.constant 3.000000e+00 : f32
    %gt3A_101 = arith.cmpf ogt, %reduce_max3A_72, %gt3A_100 : f32
    %convert_element_type3A_102 = arith.extui %gt3A_101 : i1 to i32
    %cond3A_103 = arith.constant 0 : i32
    %cond3A_104 = arith.cmpi ne, %convert_element_type3A_102, %cond3A_103 : i32
    scf.if %cond3A_104 {
      %get3A_218 = arith.constant 0 : index
      %get3A_219 = arith.constant 0 : index
      %get3A_220 = vector.load %arg8[%get3A_218, %get3A_219] : memref<1024x2048xf32, #tpu.memory_space<vmem>>, vector<1024x2048xf32>
      %reduce_max3A_221 = arith.constant dense<0xFF800000> : vector<1024xf32>
      %reduce_max3A_222 = vector.multi_reduction <maximumf>, %get3A_220, %reduce_max3A_221 [1] : vector<1024x2048xf32> to vector<1024xf32>
      %broadcast_in_dim3A_223 = vector.shape_cast %reduce_max3A_222 : vector<1024xf32> to vector<1024x1xf32>
      %eq3A_224 = vector.broadcast %broadcast_in_dim3A_223 : vector<1024x1xf32> to vector<1024x2048xf32>
      %eq3A_225 = arith.cmpf oeq, %get3A_220, %eq3A_224 : vector<1024x2048xf32>
      %jit3A_226 = arith.constant 0x7F800000 : f32
      %broadcast_in_dim3A_227 = vector.broadcast %jit3A_226 : f32 to vector<1024x2048xf32>
      %select_n3A_228 = arith.select %eq3A_225, %convert_element_type3A_56, %broadcast_in_dim3A_227 : vector<1024x2048xi1>, vector<1024x2048xf32>
      %reduce_min3A_229 = arith.constant dense<0x7F800000> : vector<1024xf32>
      %reduce_min3A_230 = vector.multi_reduction <minimumf>, %select_n3A_228, %reduce_min3A_229 [1] : vector<1024x2048xf32> to vector<1024xf32>
      %broadcast_in_dim3A_231 = vector.shape_cast %reduce_min3A_230 : vector<1024xf32> to vector<1024x1xf32>
      %eq3A_232 = vector.broadcast %broadcast_in_dim3A_231 : vector<1024x1xf32> to vector<1024x2048xf32>
      %eq3A_233 = arith.cmpf oeq, %convert_element_type3A_56, %eq3A_232 : vector<1024x2048xf32>
      %jit3A_234 = arith.constant 0xFF800000 : f32
      %broadcast_in_dim3A_235 = vector.broadcast %jit3A_234 : f32 to vector<1024x2048xf32>
      %select_n3A_236 = arith.select %eq3A_233, %broadcast_in_dim3A_235, %get3A_220 : vector<1024x2048xi1>, vector<1024x2048xf32>
      %swap3A_237 = arith.constant 0 : index
      %swap3A_238 = arith.constant 0 : index
      %swap3A_239 = vector.load %arg8[%swap3A_237, %swap3A_238] : memref<1024x2048xf32, #tpu.memory_space<vmem>>, vector<1024x2048xf32>
      tpu.vector_store %arg8[%swap3A_237, %swap3A_238], %select_n3A_236 {strides = array<i32>} : memref<1024x2048xf32, #tpu.memory_space<vmem>>, vector<1024x2048xf32>,
      %swap3A_240 = arith.constant 0 : index
      %swap3A_241 = arith.constant 3 : index
      %swap3A_242 = vector.load %arg9[%swap3A_240, %swap3A_241] : memref<1024x5xf32, #tpu.memory_space<vmem>>, vector<1024x1xf32>
      tpu.vector_store %arg9[%swap3A_240, %swap3A_241], %broadcast_in_dim3A_223 {strides = array<i32>} : memref<1024x5xf32, #tpu.memory_space<vmem>>, vector<1024x1xf32>,
      %swap3A_243 = arith.constant 0 : index
      %swap3A_244 = arith.constant 3 : index
      %swap3A_245 = vector.load %arg10[%swap3A_243, %swap3A_244] : memref<1024x5xf32, #tpu.memory_space<vmem>>, vector<1024x1xf32>
      tpu.vector_store %arg10[%swap3A_243, %swap3A_244], %broadcast_in_dim3A_231 {strides = array<i32>} : memref<1024x5xf32, #tpu.memory_space<vmem>>, vector<1024x1xf32>,
    } else {
    }
    %gt3A_105 = arith.constant 4.000000e+00 : f32
    %gt3A_106 = arith.cmpf ogt, %reduce_max3A_72, %gt3A_105 : f32
    %convert_element_type3A_107 = arith.extui %gt3A_106 : i1 to i32
    %cond3A_108 = arith.constant 0 : i32
    %cond3A_109 = arith.cmpi ne, %convert_element_type3A_107, %cond3A_108 : i32
    scf.if %cond3A_109 {
      %get3A_218 = arith.constant 0 : index
      %get3A_219 = arith.constant 0 : index
      %get3A_220 = vector.load %arg8[%get3A_218, %get3A_219] : memref<1024x2048xf32, #tpu.memory_space<vmem>>, vector<1024x2048xf32>
      %reduce_max3A_221 = arith.constant dense<0xFF800000> : vector<1024xf32>
      %reduce_max3A_222 = vector.multi_reduction <maximumf>, %get3A_220, %reduce_max3A_221 [1] : vector<1024x2048xf32> to vector<1024xf32>
      %broadcast_in_dim3A_223 = vector.shape_cast %reduce_max3A_222 : vector<1024xf32> to vector<1024x1xf32>
      %eq3A_224 = vector.broadcast %broadcast_in_dim3A_223 : vector<1024x1xf32> to vector<1024x2048xf32>
      %eq3A_225 = arith.cmpf oeq, %get3A_220, %eq3A_224 : vector<1024x2048xf32>
      %jit3A_226 = arith.constant 0x7F800000 : f32
      %broadcast_in_dim3A_227 = vector.broadcast %jit3A_226 : f32 to vector<1024x2048xf32>
      %select_n3A_228 = arith.select %eq3A_225, %convert_element_type3A_56, %broadcast_in_dim3A_227 : vector<1024x2048xi1>, vector<1024x2048xf32>
      %reduce_min3A_229 = arith.constant dense<0x7F800000> : vector<1024xf32>
      %reduce_min3A_230 = vector.multi_reduction <minimumf>, %select_n3A_228, %reduce_min3A_229 [1] : vector<1024x2048xf32> to vector<1024xf32>
      %broadcast_in_dim3A_231 = vector.shape_cast %reduce_min3A_230 : vector<1024xf32> to vector<1024x1xf32>
      %eq3A_232 = vector.broadcast %broadcast_in_dim3A_231 : vector<1024x1xf32> to vector<1024x2048xf32>
      %eq3A_233 = arith.cmpf oeq, %convert_element_type3A_56, %eq3A_232 : vector<1024x2048xf32>
      %jit3A_234 = arith.constant 0xFF800000 : f32
      %broadcast_in_dim3A_235 = vector.broadcast %jit3A_234 : f32 to vector<1024x2048xf32>
      %select_n3A_236 = arith.select %eq3A_233, %broadcast_in_dim3A_235, %get3A_220 : vector<1024x2048xi1>, vector<1024x2048xf32>
      %swap3A_237 = arith.constant 0 : index
      %swap3A_238 = arith.constant 0 : index
      %swap3A_239 = vector.load %arg8[%swap3A_237, %swap3A_238] : memref<1024x2048xf32, #tpu.memory_space<vmem>>, vector<1024x2048xf32>
      tpu.vector_store %arg8[%swap3A_237, %swap3A_238], %select_n3A_236 {strides = array<i32>} : memref<1024x2048xf32, #tpu.memory_space<vmem>>, vector<1024x2048xf32>,
      %swap3A_240 = arith.constant 0 : index
      %swap3A_241 = arith.constant 4 : index
      %swap3A_242 = vector.load %arg9[%swap3A_240, %swap3A_241] : memref<1024x5xf32, #tpu.memory_space<vmem>>, vector<1024x1xf32>
      tpu.vector_store %arg9[%swap3A_240, %swap3A_241], %broadcast_in_dim3A_223 {strides = array<i32>} : memref<1024x5xf32, #tpu.memory_space<vmem>>, vector<1024x1xf32>,
      %swap3A_243 = arith.constant 0 : index
      %swap3A_244 = arith.constant 4 : index
      %swap3A_245 = vector.load %arg10[%swap3A_243, %swap3A_244] : memref<1024x5xf32, #tpu.memory_space<vmem>>, vector<1024x1xf32>
      tpu.vector_store %arg10[%swap3A_243, %swap3A_244], %broadcast_in_dim3A_231 {strides = array<i32>} : memref<1024x5xf32, #tpu.memory_space<vmem>>, vector<1024x1xf32>,
    } else {
    }
    %get3A_110 = arith.constant 0 : index
    %get3A_111 = arith.constant 0 : index
    %get3A_112 = vector.load %arg9[%get3A_110, %get3A_111] : memref<1024x5xf32, #tpu.memory_space<vmem>>, vector<1024x5xf32>
    %get3A_113 = arith.constant 0 : index
    %get3A_114 = arith.constant 0 : index
    %get3A_115 = vector.load %arg10[%get3A_113, %get3A_114] : memref<1024x5xf32, #tpu.memory_space<vmem>>, vector<1024x5xf32>
    %mul3A_116 = arith.constant 2048 : i32
    %mul3A_117 = arith.muli %arg0, %mul3A_116 : i32
    %convert_element_type3A_118 = arith.sitofp %mul3A_117 : i32 to f32
    %add3A = vector.broadcast %convert_element_type3A_118 : f32 to vector<1024x5xf32>
    %add3A_119 = arith.addf %get3A_115, %add3A : vector<1024x5xf32>
    %get3A_120 = arith.constant 0 : index
    %get3A_121 = arith.constant 0 : index
    %get3A_122 = vector.load %arg5[%get3A_120, %get3A_121] : memref<1024x5xf32, #tpu.memory_space<vmem>>, vector<1024x5xf32>
    %concatenate3A = tpu.concatenate %get3A_122, %get3A_112 in 1 : vector<1024x5xf32>, vector<1024x5xf32> -> vector<1024x10xf32>
    %get3A_123 = arith.constant 0 : index
    %get3A_124 = arith.constant 0 : index
    %get3A_125 = vector.load %arg6[%get3A_123, %get3A_124] : memref<1024x5xf32, #tpu.memory_space<vmem>>, vector<1024x5xf32>
    %concatenate3A_126 = tpu.concatenate %get3A_125, %add3A_119 in 1 : vector<1024x5xf32>, vector<1024x5xf32> -> vector<1024x10xf32>
    %reduce_max3A_127 = arith.constant dense<0xFF800000> : vector<1024xf32>
    %reduce_max3A_128 = vector.multi_reduction <maximumf>, %concatenate3A, %reduce_max3A_127 [1] : vector<1024x10xf32> to vector<1024xf32>
    %broadcast_in_dim3A_129 = vector.shape_cast %reduce_max3A_128 : vector<1024xf32> to vector<1024x1xf32>
    %eq3A_130 = vector.broadcast %broadcast_in_dim3A_129 : vector<1024x1xf32> to vector<1024x10xf32>
    %eq3A_131 = arith.cmpf oeq, %concatenate3A, %eq3A_130 : vector<1024x10xf32>
    %jit3A_132 = arith.constant 0x7F800000 : f32
    %broadcast_in_dim3A_133 = vector.broadcast %jit3A_132 : f32 to vector<1024x10xf32>
    %select_n3A_134 = arith.select %eq3A_131, %concatenate3A_126, %broadcast_in_dim3A_133 : vector<1024x10xi1>, vector<1024x10xf32>
    %reduce_min3A_135 = arith.constant dense<0x7F800000> : vector<1024xf32>
    %reduce_min3A_136 = vector.multi_reduction <minimumf>, %select_n3A_134, %reduce_min3A_135 [1] : vector<1024x10xf32> to vector<1024xf32>
    %broadcast_in_dim3A_137 = vector.shape_cast %reduce_min3A_136 : vector<1024xf32> to vector<1024x1xf32>
    %eq3A_138 = vector.broadcast %broadcast_in_dim3A_137 : vector<1024x1xf32> to vector<1024x10xf32>
    %eq3A_139 = arith.cmpf oeq, %concatenate3A_126, %eq3A_138 : vector<1024x10xf32>
    %and3A = arith.andi %eq3A_131, %eq3A_139 : vector<1024x10xi1>
    %jit3A_140 = arith.constant 0xFF800000 : f32
    %broadcast_in_dim3A_141 = vector.broadcast %jit3A_140 : f32 to vector<1024x10xf32>
    %select_n3A_142 = arith.select %and3A, %broadcast_in_dim3A_141, %concatenate3A : vector<1024x10xi1>, vector<1024x10xf32>
    %reduce_max3A_143 = arith.constant dense<0xFF800000> : vector<1024xf32>
    %reduce_max3A_144 = vector.multi_reduction <maximumf>, %select_n3A_142, %reduce_max3A_143 [1] : vector<1024x10xf32> to vector<1024xf32>
    %broadcast_in_dim3A_145 = vector.shape_cast %reduce_max3A_144 : vector<1024xf32> to vector<1024x1xf32>
    %eq3A_146 = vector.broadcast %broadcast_in_dim3A_145 : vector<1024x1xf32> to vector<1024x10xf32>
    %eq3A_147 = arith.cmpf oeq, %select_n3A_142, %eq3A_146 : vector<1024x10xf32>
    %jit3A_148 = arith.constant 0x7F800000 : f32
    %broadcast_in_dim3A_149 = vector.broadcast %jit3A_148 : f32 to vector<1024x10xf32>
    %select_n3A_150 = arith.select %eq3A_147, %concatenate3A_126, %broadcast_in_dim3A_149 : vector<1024x10xi1>, vector<1024x10xf32>
    %reduce_min3A_151 = arith.constant dense<0x7F800000> : vector<1024xf32>
    %reduce_min3A_152 = vector.multi_reduction <minimumf>, %select_n3A_150, %reduce_min3A_151 [1] : vector<1024x10xf32> to vector<1024xf32>
    %broadcast_in_dim3A_153 = vector.shape_cast %reduce_min3A_152 : vector<1024xf32> to vector<1024x1xf32>
    %eq3A_154 = vector.broadcast %broadcast_in_dim3A_153 : vector<1024x1xf32> to vector<1024x10xf32>
    %eq3A_155 = arith.cmpf oeq, %concatenate3A_126, %eq3A_154 : vector<1024x10xf32>
    %and3A_156 = arith.andi %eq3A_147, %eq3A_155 : vector<1024x10xi1>
    %jit3A_157 = arith.constant 0xFF800000 : f32
    %broadcast_in_dim3A_158 = vector.broadcast %jit3A_157 : f32 to vector<1024x10xf32>
    %select_n3A_159 = arith.select %and3A_156, %broadcast_in_dim3A_158, %select_n3A_142 : vector<1024x10xi1>, vector<1024x10xf32>
    %reduce_max3A_160 = arith.constant dense<0xFF800000> : vector<1024xf32>
    %reduce_max3A_161 = vector.multi_reduction <maximumf>, %select_n3A_159, %reduce_max3A_160 [1] : vector<1024x10xf32> to vector<1024xf32>
    %broadcast_in_dim3A_162 = vector.shape_cast %reduce_max3A_161 : vector<1024xf32> to vector<1024x1xf32>
    %eq3A_163 = vector.broadcast %broadcast_in_dim3A_162 : vector<1024x1xf32> to vector<1024x10xf32>
    %eq3A_164 = arith.cmpf oeq, %select_n3A_159, %eq3A_163 : vector<1024x10xf32>
    %jit3A_165 = arith.constant 0x7F800000 : f32
    %broadcast_in_dim3A_166 = vector.broadcast %jit3A_165 : f32 to vector<1024x10xf32>
    %select_n3A_167 = arith.select %eq3A_164, %concatenate3A_126, %broadcast_in_dim3A_166 : vector<1024x10xi1>, vector<1024x10xf32>
    %reduce_min3A_168 = arith.constant dense<0x7F800000> : vector<1024xf32>
    %reduce_min3A_169 = vector.multi_reduction <minimumf>, %select_n3A_167, %reduce_min3A_168 [1] : vector<1024x10xf32> to vector<1024xf32>
    %broadcast_in_dim3A_170 = vector.shape_cast %reduce_min3A_169 : vector<1024xf32> to vector<1024x1xf32>
    %eq3A_171 = vector.broadcast %broadcast_in_dim3A_170 : vector<1024x1xf32> to vector<1024x10xf32>
    %eq3A_172 = arith.cmpf oeq, %concatenate3A_126, %eq3A_171 : vector<1024x10xf32>
    %and3A_173 = arith.andi %eq3A_164, %eq3A_172 : vector<1024x10xi1>
    %jit3A_174 = arith.constant 0xFF800000 : f32
    %broadcast_in_dim3A_175 = vector.broadcast %jit3A_174 : f32 to vector<1024x10xf32>
    %select_n3A_176 = arith.select %and3A_173, %broadcast_in_dim3A_175, %select_n3A_159 : vector<1024x10xi1>, vector<1024x10xf32>
    %reduce_max3A_177 = arith.constant dense<0xFF800000> : vector<1024xf32>
    %reduce_max3A_178 = vector.multi_reduction <maximumf>, %select_n3A_176, %reduce_max3A_177 [1] : vector<1024x10xf32> to vector<1024xf32>
    %broadcast_in_dim3A_179 = vector.shape_cast %reduce_max3A_178 : vector<1024xf32> to vector<1024x1xf32>
    %eq3A_180 = vector.broadcast %broadcast_in_dim3A_179 : vector<1024x1xf32> to vector<1024x10xf32>
    %eq3A_181 = arith.cmpf oeq, %select_n3A_176, %eq3A_180 : vector<1024x10xf32>
    %jit3A_182 = arith.constant 0x7F800000 : f32
    %broadcast_in_dim3A_183 = vector.broadcast %jit3A_182 : f32 to vector<1024x10xf32>
    %select_n3A_184 = arith.select %eq3A_181, %concatenate3A_126, %broadcast_in_dim3A_183 : vector<1024x10xi1>, vector<1024x10xf32>
    %reduce_min3A_185 = arith.constant dense<0x7F800000> : vector<1024xf32>
    %reduce_min3A_186 = vector.multi_reduction <minimumf>, %select_n3A_184, %reduce_min3A_185 [1] : vector<1024x10xf32> to vector<1024xf32>
    %broadcast_in_dim3A_187 = vector.shape_cast %reduce_min3A_186 : vector<1024xf32> to vector<1024x1xf32>
    %eq3A_188 = vector.broadcast %broadcast_in_dim3A_187 : vector<1024x1xf32> to vector<1024x10xf32>
    %eq3A_189 = arith.cmpf oeq, %concatenate3A_126, %eq3A_188 : vector<1024x10xf32>
    %and3A_190 = arith.andi %eq3A_181, %eq3A_189 : vector<1024x10xi1>
    %jit3A_191 = arith.constant 0xFF800000 : f32
    %broadcast_in_dim3A_192 = vector.broadcast %jit3A_191 : f32 to vector<1024x10xf32>
    %select_n3A_193 = arith.select %and3A_190, %broadcast_in_dim3A_192, %select_n3A_176 : vector<1024x10xi1>, vector<1024x10xf32>
    %reduce_max3A_194 = arith.constant dense<0xFF800000> : vector<1024xf32>
    %reduce_max3A_195 = vector.multi_reduction <maximumf>, %select_n3A_193, %reduce_max3A_194 [1] : vector<1024x10xf32> to vector<1024xf32>
    %broadcast_in_dim3A_196 = vector.shape_cast %reduce_max3A_195 : vector<1024xf32> to vector<1024x1xf32>
    %eq3A_197 = vector.broadcast %broadcast_in_dim3A_196 : vector<1024x1xf32> to vector<1024x10xf32>
    %eq3A_198 = arith.cmpf oeq, %select_n3A_193, %eq3A_197 : vector<1024x10xf32>
    %jit3A_199 = arith.constant 0x7F800000 : f32
    %broadcast_in_dim3A_200 = vector.broadcast %jit3A_199 : f32 to vector<1024x10xf32>
    %select_n3A_201 = arith.select %eq3A_198, %concatenate3A_126, %broadcast_in_dim3A_200 : vector<1024x10xi1>, vector<1024x10xf32>
    %reduce_min3A_202 = arith.constant dense<0x7F800000> : vector<1024xf32>
    %reduce_min3A_203 = vector.multi_reduction <minimumf>, %select_n3A_201, %reduce_min3A_202 [1] : vector<1024x10xf32> to vector<1024xf32>
    %broadcast_in_dim3A_204 = vector.shape_cast %reduce_min3A_203 : vector<1024xf32> to vector<1024x1xf32>
    %concatenate3A_205 = tpu.concatenate %broadcast_in_dim3A_129, %broadcast_in_dim3A_145, %broadcast_in_dim3A_162, %broadcast_in_dim3A_179, %broadcast_in_dim3A_196 in 1 : vector<1024x1xf32>, vector<1024x1xf32>, vector<1024x1xf32>, vector<1024x1xf32>, vector<1024x1xf32> -> vector<1024x5xf32>
    %swap3A_206 = arith.constant 0 : index
    %swap3A_207 = arith.constant 0 : index
    %swap3A_208 = vector.load %arg5[%swap3A_206, %swap3A_207] : memref<1024x5xf32, #tpu.memory_space<vmem>>, vector<1024x5xf32>
    tpu.vector_store %arg5[%swap3A_206, %swap3A_207], %concatenate3A_205 {strides = array<i32>} : memref<1024x5xf32, #tpu.memory_space<vmem>>, vector<1024x5xf32>,
    %concatenate3A_209 = tpu.concatenate %broadcast_in_dim3A_137, %broadcast_in_dim3A_153, %broadcast_in_dim3A_170, %broadcast_in_dim3A_187, %broadcast_in_dim3A_204 in 1 : vector<1024x1xf32>, vector<1024x1xf32>, vector<1024x1xf32>, vector<1024x1xf32>, vector<1024x1xf32> -> vector<1024x5xf32>
    %swap3A_210 = arith.constant 0 : index
    %swap3A_211 = arith.constant 0 : index
    %swap3A_212 = vector.load %arg6[%swap3A_210, %swap3A_211] : memref<1024x5xf32, #tpu.memory_space<vmem>>, vector<1024x5xf32>
    tpu.vector_store %arg6[%swap3A_210, %swap3A_211], %concatenate3A_209 {strides = array<i32>} : memref<1024x5xf32, #tpu.memory_space<vmem>>, vector<1024x5xf32>,
    %eq3A_213 = arith.constant 48 : i32
    %eq3A_214 = arith.cmpi eq, %arg0, %eq3A_213 : i32
    %convert_element_type3A_215 = arith.extui %eq3A_214 : i1 to i32
    %cond3A_216 = arith.constant 0 : i32
    %cond3A_217 = arith.cmpi ne, %convert_element_type3A_215, %cond3A_216 : i32
    scf.if %cond3A_217 {
      %get3A_218 = arith.constant 0 : index
      %get3A_219 = arith.constant 0 : index
      %get3A_220 = vector.load %arg5[%get3A_218, %get3A_219] : memref<1024x5xf32, #tpu.memory_space<vmem>>, vector<1024x5xf32>
      %swap3A_221 = arith.constant 0 : index
      %swap3A_222 = arith.constant 0 : index
      %swap3A_223 = vector.load %arg3[%swap3A_221, %swap3A_222] : memref<1024x5xf32, #tpu.memory_space<vmem>>, vector<1024x5xf32>
      tpu.vector_store %arg3[%swap3A_221, %swap3A_222], %get3A_220 {strides = array<i32>} : memref<1024x5xf32, #tpu.memory_space<vmem>>, vector<1024x5xf32>,
      %get3A_224 = arith.constant 0 : index
      %get3A_225 = arith.constant 0 : index
      %get3A_226 = vector.load %arg6[%get3A_224, %get3A_225] : memref<1024x5xf32, #tpu.memory_space<vmem>>, vector<1024x5xf32>
      %convert_element_type3A_227 = arith.fptosi %get3A_226 : vector<1024x5xf32> to vector<1024x5xi32>
      %swap3A_228 = arith.constant 0 : index
      %swap3A_229 = arith.constant 0 : index
      %swap3A_230 = vector.load %arg4[%swap3A_228, %swap3A_229] : memref<1024x5xi32, #tpu.memory_space<vmem>>, vector<1024x5xi32>
      tpu.vector_store %arg4[%swap3A_228, %swap3A_229], %convert_element_type3A_227 {strides = array<i32>} : memref<1024x5xi32, #tpu.memory_space<vmem>>, vector<1024x5xi32>,
    } else {
    }
    return
  }
  func.func @transform_0(%arg0: i32) -> (i32, i32) {
    %c0_i32 = arith.constant 0 : i32
    %c0_i32_0 = arith.constant 0 : i32
    %c0_i32_1 = arith.constant 0 : i32
    return %c0_i32, %c0_i32_0 : i32, i32
  }
  func.func @transform_1(%arg0: i32) -> (i32, i32) {
    %c0_i32 = arith.constant 0 : i32
    %c0_i32_0 = arith.constant 0 : i32
    return %arg0, %c0_i32 : i32, i32
  }
  func.func @transform_2(%arg0: i32) -> (i32, i32) {
    %c0_i32 = arith.constant 0 : i32
    %c0_i32_0 = arith.constant 0 : i32
    %c0_i32_1 = arith.constant 0 : i32
    return %c0_i32, %c0_i32_0 : i32, i32
  }
  func.func @transform_3(%arg0: i32) -> (i32, i32) {
    %c0_i32 = arith.constant 0 : i32
    %c0_i32_0 = arith.constant 0 : i32
    %c0_i32_1 = arith.constant 0 : i32
    return %c0_i32, %c0_i32_0 : i32, i32
  }
}

</mosaic_0001>

<sc_bundles>
// kernel: kernel.4.cloned.1.call-start
scs
__scs_entry_jumppad:
0x0: {  	(pc) =	sbr.rel $0x88, $3  }
0x1: {  	(tag) =	ssettag $0x0;
	lr =	simm.s32 $0x1  }
0x2: {  	[smem:$0x3F9E] =	sst lr;
	_ =	strace $0xD0000000  }
0x3: {  	_ = 	snop  }
0x4: {  	_ = 	snop  }
0x5: {  	_ = 	snop  }
0x6: {  	_ = 	snop  }
0x7: {  	_ = 	snop  }
__scs_overlays_trampoline_lowered:
0x8: {  	[smem:$0x3FAD] =	sst s0  }
0x9: {  	[smem:$0x3FAE] =	sst s1  }
0xa: {  	[smem:$0x3FAF] =	sst s2  }
0xb: {  	[smem:$0x3FB0] =	sst s3  }
0xc: {  	[smem:$0x3FB1] =	sst s4  }
0xd: {  	[smem:$0x3FB2] =	sst s5  }
0xe: {  	[smem:$0x3FB3] =	sst s6  }
0xf: {  	[smem:$0x3FB4] =	sst s7  }
0x10: {  	[smem:$0x3FB5] =	sst s8  }
0x11: {  	[smem:$0x3FB6] =	sst s9;
	s0 =	simm.s32 @!p0 $0x0  }
0x12: {  	s1 =	sld [smem:$0x3F9C];
	s0 =	simm.s32 @p0 $0x1  }
0x13: {  	[smem:$0x3FB7] =	sst s0;
	s0 =	simm.s32 @!p1 $0x0  }
0x14: {  	s2 =	sld [smem:$0x3F9B];
	s0 =	simm.s32 @p1 $0x1  }
0x15: {  	[smem:$0x3FB8] =	sst s0;
	s0 =	simm.s32 @!p2 $0x0  }
0x16: {  	s3 =	sld [smem:$0x3FDB];
	s0 =	simm.s32 @p2 $0x1  }
0x17: {  	s4 =	simm.s32 $0x1BF5;
	[smem:$0x3FBA] =	sst s0  }
0x18: {  	s0 =	sld [smem:$0x3F9D];
	_ =	swait.ge [sflag:s4], $0x0  }
0x19: {  	s7 =	sld [smem:$0x3F9E]  }
0x1a: {  	s8 =	sadd.s32 $0xFFFFE003, lr  }
0x1b: {  	s9 =	sadd.s32 $0xFFFFFEF7, lr;
	s5 =	simm.s32 $0xFFFFFFFF;
	p2 =	slt.u32 s8, $0xFFFFF086  }
0x1c: {  	p1 =	slt.u32 s9, $0xF7A;
	s5 =	simm.s32 @!p2 $0x0  }
0x1d: {  	s5 =	simm.s32 @p1 $0x1;
	p0 =	seq.s32 s7, s2  }
0x1e: {  	s7 =	smul.u32 @!p0 $0xF7A, s2;
	p2 =	seq.s32 @!p0 s5, $0x0  }
0x1f: {  	s9 =	smul.u32 $0xF7A, s1;
	s8 =	simm.s32 @!p0 $0x1BF5;
	p2 =	por !p2, p0  }
0x20: {  	[sflag:s8] =	ssyncset.s32 @!p0 $0xFFFFF086;
	s6 =	sadd.s32 @!p0 s3, s7;
	s7 =	simm.s32 @!p0 $0x108  }
0x21: {  	s3 =	sadd.s32 s3, s9;
	s6 =	sadd.s32 @!p0 $0x88, s6;
	s7 =	simm.s32 @p2 $0x1082  }
0x22: {  	[simem:s7], [sflag:s8] =	dma.local @!p0 [hbm:s6], $0xF7A  }
0x23: {  	s9 =	sor.u32 $0xD0000000, s2;
	s6 =	simm.s32 $0x108;
	_ =	swait.ge @!p0 [sflag:s8], $0x0  }
0x24: {  	s3 =	sadd.s32 $0x88, s3;
	s6 =	simm.s32 @!p1 $0x1082;
	[sflag:s4] =	ssyncset.s32 $0xFFFFF086  }
0x25: {  	[simem:s6], [sflag:s4] =	dma.local [hbm:s3], $0xF7A  }
0x26: {  	[smem:$0x3F9E] =	sst s1;
	(tag) =	ssettag s2;
	_ =	strace s9  }
0x27: {  	s1 =	sld [smem:$0x3FAE]  }
0x28: {  	s2 =	sld [smem:$0x3FAF]  }
0x29: {  	s4 =	sld [smem:$0x3FB1]  }
0x2a: {  	p0 =	seq.s32 s5, $0x0;
	s5 =	sld [smem:$0x3FB2]  }
0x2b: {  	s6 =	sld [smem:$0x3FB3]  }
0x2c: {  	s7 =	sld [smem:$0x3FB4]  }
0x2d: {  	s3 =	simm.s32 $0x108;
	s8 =	sld [smem:$0x3FB5]  }
0x2e: {  	s3 =	simm.s32 @!p0 $0x1082;
	s9 =	sld [smem:$0x3FB6]  }
0x2f: {  	lr =	sadd.s32 s0, s3;
	s0 =	sld [smem:$0x3FAD]  }
0x30: {  	s3 =	sld [smem:$0x3FB0]  }
0x31: {  	[smem:$0x3FB9] =	sst s10  }
0x32: {  	s10 =	sld [smem:$0x3FB7];
	_ =	sdelay $0x3  }
0x33: {  	p0 =	seq.s32 s10, $0x1;
	s10 =	sld [smem:$0x3FB9];
	_ =	sdelay $0x3  }
0x34: {  	[smem:$0x3FB9] =	sst s10  }
0x35: {  	s10 =	sld [smem:$0x3FB8];
	_ =	sdelay $0x3  }
0x36: {  	p1 =	seq.s32 s10, $0x1;
	s10 =	sld [smem:$0x3FB9];
	_ =	sdelay $0x3  }
0x37: {  	[smem:$0x3FB9] =	sst s10  }
0x38: {  	s10 =	sld [smem:$0x3FBA]  }
0x39: {  	_ = 	snop;
	(pc) =	sbr.ind lr, $3  }
0x3a: {  	_ = 	snop  }
0x3b: {  	_ = 	snop  }
0x3c: {  	p2 =	seq.s32 s10, $0x1;
	s10 =	sld [smem:$0x3FB9]  }
0x3d: {  	_ =	shalt  }
0x3e: {  	_ =	shalt  }
0x3f: {  	_ =	shalt  }
0x40: {  	_ =	shalt  }
0x41: {  	_ =	shalt  }
0x42: {  	_ =	shalt  }
0x43: {  	_ =	shalt  }
0x44: {  	_ =	shalt  }
0x45: {  	_ =	shalt  }
0x46: {  	_ =	shalt  }
0x47: {  	_ =	shalt  }
0x48: {  	_ =	shalt  }
0x49: {  	_ =	shalt  }
0x4a: {  	_ =	shalt  }
0x4b: {  	_ =	shalt  }
0x4c: {  	_ =	shalt  }
0x4d: {  	_ =	shalt  }
0x4e: {  	_ =	shalt  }
0x4f: {  	_ =	shalt  }
0x50: {  	_ =	shalt  }
0x51: {  	_ =	shalt  }
0x52: {  	_ =	shalt  }
0x53: {  	_ =	shalt  }
0x54: {  	_ =	shalt  }
0x55: {  	_ =	shalt  }
0x56: {  	_ =	shalt  }
0x57: {  	_ =	shalt  }
0x58: {  	_ =	shalt  }
0x59: {  	_ =	shalt  }
0x5a: {  	_ =	shalt  }
0x5b: {  	_ =	shalt  }
0x5c: {  	_ =	shalt  }
0x5d: {  	_ =	shalt  }
0x5e: {  	_ =	shalt  }
0x5f: {  	_ =	shalt  }
0x60: {  	_ =	shalt  }
0x61: {  	_ =	shalt  }
0x62: {  	_ =	shalt  }
0x63: {  	_ =	shalt  }
0x64: {  	_ =	shalt  }
0x65: {  	_ =	shalt  }
0x66: {  	_ =	shalt  }
0x67: {  	_ =	shalt  }
0x68: {  	_ =	shalt  }
0x69: {  	_ =	shalt  }
0x6a: {  	_ =	shalt  }
0x6b: {  	_ =	shalt  }
0x6c: {  	_ =	shalt  }
0x6d: {  	_ =	shalt  }
0x6e: {  	_ =	shalt  }
0x6f: {  	_ =	shalt  }
0x70: {  	_ =	shalt  }
0x71: {  	_ =	shalt  }
0x72: {  	_ =	shalt  }
0x73: {  	_ =	shalt  }
0x74: {  	_ =	shalt  }
0x75: {  	_ =	shalt  }
0x76: {  	_ =	shalt  }
0x77: {  	_ =	shalt  }
0x78: {  	_ =	shalt  }
0x79: {  	_ =	shalt  }
0x7a: {  	_ =	shalt  }
0x7b: {  	_ =	shalt  }
0x7c: {  	_ =	shalt  }
0x7d: {  	_ =	shalt  }
0x7e: {  	_ =	shalt  }
0x7f: {  	_ =	shalt  }
0x80: {  	_ =	shalt  }
0x81: {  	_ =	shalt  }
0x82: {  	_ =	shalt  }
0x83: {  	_ =	shalt  }
0x84: {  	_ =	shalt  }
0x85: {  	_ =	shalt  }
0x86: {  	_ =	shalt  }
0x87: {  	_ =	shalt  }
.Lfunc_end0:
.L_simem_size_0:
called_computation_lowered:
.L_overlay_start_0:
0x88: {  	s2 =	sld [smem:$0x3FD9]  }
0x89: {  	s3 =	sld [smem:$0x3FFE];
	_ =	sdelay $0x1  }
0x8a: {  	s1 =	srdreg.scid  }
0x8b: {  	s0 =	sand.u32 $0x1, s1  }
0x8c: {  	s14 =	sshll.u32 s0, $0xA;
	s2 =	sadd.s32 s3, s2  }
0x8d: {  	s2 =	sadd.s32 s2, s14  }
0x8e: {  	[smem:$0x3FC5] =	sst s2  }
0x8f: {  	_ = 	snop  }
0x90: {  	s2 =	sld [smem:$0x3FD0];
	_ =	sdelay $0x2  }
0x91: {  	s4 =	simm.s32 $0xA;
	s5 =	simm.s32 $0x10;
	s15 =	sld [smem:$0x3FC7]  }
0x92: {  	[smem:s5], [sflag:s4] =	dma.local [hbm:s2], $0x1  }
0x93: {  	_ =	swait.eq [sflag:s4], $0x1  }
0x94: {  	[sflag:s4] =	ssyncset.done $0x0  }
0x95: {  	[sflag:s4] =	ssyncadd.s32 $0xFFFFFFFF  }
0x96: {  	s16 =	sld [smem:$0x11];
	(tm) =	ssettm $0x1  }
0x97: {  	s17 =	sld [smem:$0x3FFB];
	_ =	sdelay $0x3  }
0x98: {  	_ =	strace s17  }
0x99: {  	s4 =	sld [smem:$0x3FFC];
	_ =	sdelay $0x3  }
0x9a: {  	_ =	strace s4  }
0x9b: {  	s4 =	sld [smem:$0x3FFD];
	_ =	sdelay $0x3  }
0x9c: {  	_ =	strace s4  }
0x9d: {  	_ =	strace $0x8FFFFFFF  }
0x9e: {  	s18 =	sld [smem:$0x3FDB];
	_ =	sdelay $0x1  }
0x9f: {  	s19 =	simm.s32 $_scs_section_size  }
0xa0: {  	s6 =	simm.s32 $_size__tile_overlayer_lowered;
	s7 =	simm.s32 $_tile_overlayer_lowered  }
0xa1: {  	s22 =	simm.s32 $0x1BFF;
	s21 =	sshll.u32 s7, $0x1;
	s4 =	sadd.s32 s19, s18  }
0xa2: {  	s8 =	simm.s32 $0x0;
	s20 =	sshll.u32 s6, $0x1;
	s6 =	sadd.s32 s21, s4  }
0xa3: {  	[timem:s8], [sflag:s22] =	dma.local [hbm:s6], s20  }
0xa4: {  	_ =	swait.ge [sflag:s22], s20  }
0xa5: {  	s5 =	ssub.s32 $0x0, s20;
	[sflag:s22] =	ssyncset.done $0x0  }
0xa6: {  	[sflag:s22] =	ssyncadd.s32 s5;
	_ =	sdelay $0x1  }
0xa7: {  	s23 =	simm.s32 $0x1B8B  }
0xa8: {  	_ =	swait.ge [sflag:s23], $0x1  }
0xa9: {  	[sflag:s23] =	ssyncset.done $0x0  }
0xaa: {  	s25 =	simm.s32 $0x1B8E;
	s24 =	sld [smem:$0x3FFE];
	[sflag:s23] =	ssyncadd.s32 $0xFFFFFFFF  }
0xab: {  	s26 =	simm.s32 $execute0_lowered;
	[smem:$0x3FD2] =	sst s25  }
0xac: {  	s6 =	sshll.u32 s26, $0x1;
	_ =	strace $0x80000046;
	[dreg:$0x1] =	wrdreg $0xFFFFFFFF  }
0xad: {  	s28 =	simm.s32 $_size_execute0_lowered;
	s4 =	sadd.s32 s4, s6;
	[dreg:$0x0] =	wrdreg $0x0  }
0xae: {  	s6 =	sshll.u32 s28, $0x1;
	[dreg:$0x2] =	wrdreg s4  }
0xaf: {  	[dreg:$0x3] =	wrdreg s6  }
0xb0: {  	[dreg:$0x4] =	wrdreg $0xC0  }
0xb1: {  	_ =	task [dreg:s8], $0x5FFFF  }
0xb2: {  	[dreg:$0x1] =	wrdreg $0xFFFFFFFF  }
0xb3: {  	[dreg:$0x0] =	wrdreg $0x60  }
0xb4: {  	[dreg:$0x2] =	wrdreg s16  }
0xb5: {  	[dreg:$0x3] =	wrdreg s15  }
0xb6: {  	[dreg:$0x4] =	wrdreg s24  }
0xb7: {  	[dreg:$0x5] =	wrdreg $0x9  }
0xb8: {  	_ =	task.clear_ibuf [dreg:s8], $0x6FFFF;
	_ =	strace $0x90000046  }
0xb9: {  	s29 =	simm.s32 $0x9;
	_ =	strace $0x80000048  }
0xba: {  	_ =	swait.ge [sflag:s29], $0x1  }
0xbb: {  	[sflag:s29] =	ssyncadd.s32 $0xFFFFFFFF  }
0xbc: {  	_ =	strace $0x90000048  }
0xbd: {  	_ =	sfence  }
0xbe: {  	s30 =	sld [smem:$0x0];
	_ =	sdelay $0x2  }
0xbf: {  	s31 =	sshll.u32 s1, $0xD;
	s1 =	sshrl.u32 s1, $0x2  }
0xc0: {  	s3 =	sand.u32 $0x4000, s31;
	s1 =	sadd.s32 s1, s30  }
0xc1: {  	s0 =	sor.u32 s3, s0;
	s1 =	sshll.u32 s1, $0x11  }
0xc2: {  	s0 =	sor.u32 s1, s0  }
0xc3: {  	s0 =	sadd.s32 $0x8F2B, s0  }
0xc4: {  	[sflag:s0] =	ssyncadd.remote.s32 $0x1  }
0xc5: {  	_ =	sfence.sel $0xFFFF  }
0xc6: {  	[dreg:$0x0] =	wrdreg $0xFFFFFFFF;
	(pc) =	sbr.abs _section_cstart, $3  }
0xc7: {  	[dreg:$0x1] =	wrdreg $0xFFFFFFFF  }
0xc8: {  	_ =	task.clear_ibuf [dreg:s8], $0x2FFFF;
	_ =	strace $0x9FFFFFFF  }
0xc9: {  	(tm) =	ssettm $0x7FFFFFFF  }
tec
execute0_lowered:
.L_overlay_start_1:
0x0: {  	(tag) =	ssettag $0x1  }
0x1: {  	s1 =	srdreg.scid;
	s0 =	stileid.u32  }
0x2: {  	s10 =	rddreg [dreg:$0x0];
	s11 =	sand.u32 $0x1, s1;
	s30 =	sshll.u32 s0, $0x1  }
0x3: {  	s2 =	rddreg [dreg:$0x1];
	s1 =	sor.u32 s11, s30  }
0x4: {  	s9 =	rddreg [dreg:$0x2];
	s3 =	simm.s32 $0x0;
	s4 =	smul.u32 $0xA0, s1  }
0x5: {  	[smem:$0x7FF] =	sst s3  }
0x6: {  	s1 =	rddreg [dreg:$0x3];
	s12 =	sshrl.u32 s4, $0x3  }
0x7: {  	_ =	strace $0x80000047;
	s4 =	simm.s32 $0x2;
	s5 =	sadd.s32 s10, s12  }
0x8: {  	[tilespmem:s3], [sflag:$0x2] =	stream.linear.gather [hbm4b:s5+s3], $0x50, $0x38;
	[tilespmem:$0x100] =	vst v63  }
0x9: {  	_ =	swait.ge [sflag:s4], $0x50  }
0xa: {  	s6 =	simm.s32 $0x50;
	[sflag:s4] =	ssyncset.done $0x0  }
0xb: {  	s7 =	simm.s32 $0x80;
	s8 =	simm.s32 $0x1;
	[sflag:s4] =	ssyncadd.s32 $0xFFFFFFB0  }
0xc: {  	[tilespmem:s7], [sflag:$0x1] =	stream.indirect.gather [hbm4b:s2+s6], $0x1, s3, s6, $0xb8;
	[tilespmem:$0x100] =	vst v63  }
0xd: {  	_ =	swait.ge [sflag:s8], $0x50  }
0xe: {  	s13 =	sadd.s32 $0x800, s9;
	[sflag:s8] =	ssyncset.done $0x0  }
0xf: {  	s9 =	sadd.s32 s13, s12;
	[sflag:s8] =	ssyncadd.s32 $0xFFFFFFB0  }
0x10: {  	[hbm4b:s9+s3] =	stream.linear.scatter [tilespmem:s7], [sflag:$0x2], $0x50, $0x38;
	[tilespmem:$0x100] =	vst v63  }
0x11: {  	_ =	swait.ge [sflag:s4], $0x50  }
0x12: {  	s12 =	sadd.s32 $0xA, s12;
	[sflag:s4] =	ssyncset.done $0x0  }
0x13: {  	s11 =	ssub.s32 $0x2, s11;
	s10 =	sadd.s32 s10, s12;
	[sflag:s4] =	ssyncadd.s32 $0xFFFFFFB0  }
0x14: {  	[tilespmem:s3], [sflag:$0x2] =	stream.linear.gather [hbm4b:s10+s3], $0x50, $0x38;
	[tilespmem:$0x100] =	vst v63  }
0x15: {  	s14 =	sshrl.u32 s11, $0x1;
	_ =	swait.ge [sflag:s4], $0x50  }
0x16: {  	s14 =	ssub.s32 s11, s14;
	[sflag:s4] =	ssyncset.done $0x0  }
0x17: {  	s31 =	smax.u32 s14, $0x1;
	[sflag:s4] =	ssyncadd.s32 $0xFFFFFFB0  }
0x18: {  	[tilespmem:s7], [sflag:$0x1] =	stream.indirect.gather [hbm4b:s2+s6], $0x1, s3, s6, $0xb8;
	[tilespmem:$0x100] =	vst v63  }
0x19: {  	p0 =	sne.s32 s31, $0x1;
	_ =	swait.ge [sflag:s8], $0x50  }
.Ltmp0:
0x1a: {  	[sflag:s8] =	ssyncset.done $0x0;
	(pc) =	sbr.rel @!p0 .LBB2_2-.Ltmp0, $4  }
0x1b: {  	s11 =	sadd.s32 s13, s12;
	[sflag:s8] =	ssyncadd.s32 $0xFFFFFFB0  }
0x1c: {  	[hbm4b:s11+s3] =	stream.linear.scatter [tilespmem:s7], [sflag:$0x2], $0x50, $0x38;
	[tilespmem:$0x100] =	vst v63  }
0x1d: {  	_ =	swait.ge [sflag:s4], $0x50  }
0x1e: {  	s12 =	sadd.s32 $0xFFFFFFFF, s31;
	[sflag:s4] =	ssyncset.done $0x0  }
.LBB2_1:
0x1f: {  	p0 =	sne.s32 s12, $0x1;
	s12 =	sadd.s32 $0xFFFFFFFF, s12;
	[sflag:s4] =	ssyncadd.s32 $0xFFFFFFB0  }
0x20: {  	[tilespmem:s3], [sflag:$0x2] =	stream.linear.gather [hbm4b:s5+s3], $0x50, $0x38;
	[tilespmem:$0x100] =	vst v63  }
0x21: {  	_ =	swait.ge [sflag:s4], $0x50  }
0x22: {  	[sflag:s4] =	ssyncset.done $0x0  }
0x23: {  	[sflag:s4] =	ssyncadd.s32 $0xFFFFFFB0  }
0x24: {  	[tilespmem:s7], [sflag:$0x1] =	stream.indirect.gather [hbm4b:s2+s6], $0x1, s3, s6, $0xb8;
	[tilespmem:$0x100] =	vst v63  }
0x25: {  	_ =	swait.ge [sflag:s8], $0x50  }
0x26: {  	[sflag:s8] =	ssyncset.done $0x0  }
0x27: {  	[sflag:s8] =	ssyncadd.s32 $0xFFFFFFB0  }
0x28: {  	[hbm4b:s9+s3] =	stream.linear.scatter [tilespmem:s7], [sflag:$0x2], $0x50, $0x38;
	[tilespmem:$0x100] =	vst v63  }
0x29: {  	_ =	swait.ge [sflag:s4], $0x50  }
0x2a: {  	[sflag:s4] =	ssyncset.done $0x0  }
0x2b: {  	[sflag:s4] =	ssyncadd.s32 $0xFFFFFFB0  }
0x2c: {  	[tilespmem:s3], [sflag:$0x2] =	stream.linear.gather [hbm4b:s10+s3], $0x50, $0x38;
	[tilespmem:$0x100] =	vst v63  }
0x2d: {  	_ =	swait.ge [sflag:s4], $0x50  }
0x2e: {  	[sflag:s4] =	ssyncset.done $0x0  }
0x2f: {  	[sflag:s4] =	ssyncadd.s32 $0xFFFFFFB0  }
0x30: {  	[tilespmem:s7], [sflag:$0x1] =	stream.indirect.gather [hbm4b:s2+s6], $0x1, s3, s6, $0xb8;
	[tilespmem:$0x100] =	vst v63  }
0x31: {  	_ =	swait.ge [sflag:s8], $0x50  }
.Ltmp1:
0x32: {  	[sflag:s8] =	ssyncset.done $0x0;
	(pc) =	sbr.rel @p0 .LBB2_1-.Ltmp1, $4  }
0x33: {  	[sflag:s8] =	ssyncadd.s32 $0xFFFFFFB0  }
0x34: {  	[hbm4b:s11+s3] =	stream.linear.scatter [tilespmem:s7], [sflag:$0x2], $0x50, $0x38;
	[tilespmem:$0x100] =	vst v63  }
0x35: {  	_ =	swait.ge [sflag:s4], $0x50  }
0x36: {  	[sflag:s4] =	ssyncset.done $0x0  }
.LBB2_2:
0x37: {  	[sflag:s4] =	ssyncadd.s32 $0xFFFFFFB0  }
0x38: {  	_ =	sfence.sel $0x180000  }
0x39: {  	[bflag:$0x0] =	sbarrier.arrive $0xFFFF  }
0x3a: {  	p0 =	sne.s32 s0, $0x0;
	_ =	strace $0x90000047  }
0x3b: {  	s0 =	sadd.s32 @!p0 $0x100000, s1;
	[bflag:$0x2] =	sbarrier.arrive $0xFFFF  }
0x3c: {  	[sflag:s0] =	ssyncadd.tile.s32 @!p0 $0x1;
	_ =	shalt  }
.Lfunc_end2:
_tile_overlayer_lowered:
.L_overlay_start_2:
0x3d: {  	(tag) =	ssettag $0x2  }
0x3e: {  	s0 =	rddreg [dreg:$0x0];
	s2 =	stileid.u32  }
0x3f: {  	s1 =	rddreg [dreg:$0x1];
	p0 =	sne.s32 s2, $0x0  }
0x40: {  	s3 =	rddreg [dreg:$0x2];
	[bflag:$0x3] =	sbarrier.arrive $0xFFFF;
	s2 =	simm.s32 @!p0 $0x1C02  }
0x41: {  	[timem:s3], [sflag:s2] =	dma.local @!p0 [hbm:s0], s1  }
0x42: {  	s0 =	simm.s32 @!p0 $0x2  }
0x43: {  	_ =	swait.ge @!p0 [sflag:s0], s1  }
0x44: {  	s1 =	ssub.s32 @!p0 $0x0, s1;
	[sflag:s0] =	ssyncset.done @!p0 $0x0  }
0x45: {  	[sflag:s0] =	ssyncadd.s32 @!p0 s1  }
0x46: {  	[bflag:$0x3] =	sbarrier.arrive $0xFFFF  }
0x47: {  	_ =	shalt  }

</sc_bundles>
